<compile_context>
chip_gen: v7x
topology: tpu7x:2x2x1
jax: 0.10.2.dev20260603
libtpu: 0.0.44.dev20260713+nightly
codegen_flags: <defaults>
</compile_context>

<pallas_src>
import jax
import jax.numpy as jnp
from jax import lax
from jax.experimental import pallas as pl
from jax.experimental.pallas import tpu as pltpu
from jax.experimental.pallas import tpu_sc as plsc

_HD = 128
_N = 262144
_SC_ROWS = 163840
_TC_HEAD = _N - _SC_ROWS

_NC = 2
_NS = 16
_NW = _NC * _NS
_SC_W = _SC_ROWS // _NW
_CH = 256
_NCH = _SC_W // _CH

_K_GRID = 32
_V_BLK = 8192



def _sc_body(v_hbm, out_hbm, buf0, buf1, si0, si1, so0, so1):
    wid = lax.axis_index("s") * _NC + lax.axis_index("c")
    base = _TC_HEAD + wid * _SC_W
    bufs = (buf0, buf1)
    sin = (si0, si1)
    sout = (so0, so1)

    def make_in(c):
        b = c & 1
        return pltpu.make_async_copy(
            v_hbm.at[pl.ds(base + c * _CH, _CH)], bufs[b], sin[b]
        )

    def make_out(c):
        b = c & 1
        return pltpu.make_async_copy(
            bufs[b], out_hbm.at[pl.ds(base + c * _CH, _CH)], sout[b]
        )

    make_in(0).start()
    for c in range(_NCH):
        make_in(c).wait()
        make_out(c).start()
        if c + 1 < _NCH:
            if c >= 1:
                make_out(c - 1).wait()
            make_in(c + 1).start()
    make_out(_NCH - 2).wait()
    make_out(_NCH - 1).wait()


def _sc_tail_copy(v2):
    mesh = plsc.VectorSubcoreMesh(core_axis_name="c", subcore_axis_name="s")
    f = pl.kernel(
        _sc_body,
        out_type=jax.ShapeDtypeStruct((_N, _HD), v2.dtype),
        mesh=mesh,
        scratch_types=[
            pltpu.VMEM((_CH, _HD), v2.dtype),
            pltpu.VMEM((_CH, _HD), v2.dtype),
            pltpu.SemaphoreType.DMA,
            pltpu.SemaphoreType.DMA,
            pltpu.SemaphoreType.DMA,
            pltpu.SemaphoreType.DMA,
        ],
    )
    return f(v2)



def _tc_copy_body(k_ref, ok_ref):
    ok_ref[...] = k_ref[...]


def _tc_copy(x):
    rows = _N // _K_GRID
    x3 = x.reshape(_K_GRID, rows, _HD)
    spec = pl.BlockSpec((1, rows, _HD), lambda i: (i, 0, 0))
    out = pl.pallas_call(
        _tc_copy_body,
        grid=(_K_GRID,),
        out_shape=jax.ShapeDtypeStruct(x3.shape, x3.dtype),
        in_specs=[spec],
        out_specs=spec,
        compiler_params=pltpu.CompilerParams(
            dimension_semantics=("parallel",),
        ),
    )(x3)
    return out.reshape(_N, _HD)



def _v_head_body(src_ref, _alias_ref, out_ref):
    out_ref[...] = src_ref[...]


def _tc_head_copy(v2, v_partial):
    blk = pl.BlockSpec((_V_BLK, _HD), lambda i: (i, 0))
    return pl.pallas_call(
        _v_head_body,
        grid=(_TC_HEAD // _V_BLK,),
        out_shape=jax.ShapeDtypeStruct((_N, _HD), v2.dtype),
        in_specs=[blk, pl.BlockSpec(memory_space=pl.ANY)],
        out_specs=blk,
        input_output_aliases={1: 0},
        compiler_params=pltpu.CompilerParams(
            dimension_semantics=("arbitrary",),
        ),
    )(v2, v_partial)


def kernel(new_k, new_v):
    B, H, L, HD = new_k.shape
    k2 = new_k.reshape(_N, _HD)
    v2 = new_v.reshape(_N, _HD)
    v_partial = _sc_tail_copy(v2)
    ok = _tc_copy(k2)
    ov = _tc_head_copy(v2, v_partial)
    return ok.reshape(B, H, L, HD), ov.reshape(B, H, L, HD)

# --- scband reference (transcript-rebuilt; emitter-appended) ---
"""Pipeline reference for scband-liveness-kvcache-7945689497942 (READ-ONLY COPY).

The authoritative reference and input builder live on the scoring server;
editing this copy changes nothing except your own understanding.
"""

import jax, jax.numpy as jnp
import numpy as np


def setup_inputs(seed: int = 0) -> dict:
    key = jax.random.key(seed)
    k1, k2 = jax.random.split(key)
    B, H, new_len, HD = 4, 32, 2048, 128
    new_k = jax.random.normal(k1, (B, H, new_len, HD), dtype=jnp.float32)
    new_v = jax.random.normal(k2, (B, H, new_len, HD), dtype=jnp.float32)
    return {"new_k": new_k, "new_v": new_v}


def reference(new_k, new_v):
    # LivenessKVCache.update with an empty cache and no token_metadata:
    # - new_live_positions = range(next_position, next_position+new_len)
    # - no metadata => no dead positions, no eviction
    # - cached_k is None => cached_k = new_k; cached_v = new_v
    # - returns the full (K, V) which is just the newly cached tensors.
    # The stateful bookkeeping (position maps, stats) has no tensor effect.
    cached_k = new_k
    cached_v = new_v
    return (cached_k, cached_v)

if __name__ == "__main__":
    import jax
    _d = setup_inputs()
    print(jax.jit(kernel)(*tuple(_d.values())))

</pallas_src>

<mosaic_0001>
#map = affine_map<(d0, d1) -> (0, 0)>
module attributes {stable_mosaic.version = 14 : i64} {
  func.func @_sc_body(%arg0: i32, %arg1: i32, %arg2: memref<262144x128xf32, #tpu.memory_space<hbm>>, %arg3: memref<262144x128xf32, #tpu.memory_space<hbm>>, %arg4: memref<256x128xf32, #tpu.memory_space<vmem>>, %arg5: memref<256x128xf32, #tpu.memory_space<vmem>>, %arg6: memref<!tpu.dma_semaphore, #tpu.memory_space<semaphore_mem>>, %arg7: memref<!tpu.dma_semaphore, #tpu.memory_space<semaphore_mem>>, %arg8: memref<!tpu.dma_semaphore, #tpu.memory_space<semaphore_mem>>, %arg9: memref<!tpu.dma_semaphore, #tpu.memory_space<semaphore_mem>>) attributes {dimension_semantics = [#tpu.dimension_semantics<core_parallel>, #tpu.dimension_semantics<subcore_parallel>], iteration_bounds = array<i64: 2, 16>, scalar_prefetch = 0 : i64, scratch_operands = 6 : i64, tpu.core_type = #tpu.core_type<sc_vector_subcore>, window_params = [{transform_indices = #map}, {transform_indices = #map}]} {
    %mul3A = arith.constant 2 : i32
    %mul3A_0 = arith.muli %arg1, %mul3A : i32
    %add3A = arith.addi %mul3A_0, %arg0 : i32
    %mul3A_1 = arith.constant 5120 : i32
    %mul3A_2 = arith.muli %add3A, %mul3A_1 : i32
    %add3A_3 = arith.constant 98304 : i32
    %add3A_4 = arith.addi %add3A_3, %mul3A_2 : i32
    %add3A_5 = arith.constant 0 : i32
    %add3A_6 = arith.addi %add3A_4, %add3A_5 : i32
    %dma_start3A = arith.constant 0 : i32
    %dma_start3A_7 = tpu.memref_slice %arg2[%add3A_6, %dma_start3A] : memref<262144x128xf32, #tpu.memory_space<hbm>> -> memref<256x128xf32, #tpu.memory_space<hbm>>
    %dma_start3A_8 = arith.constant 0 : i32
    %dma_start3A_9 = tpu.memref_slice %arg2[%add3A_6, %dma_start3A_8] : memref<262144x128xf32, #tpu.memory_space<hbm>> -> memref<256x128xf32, #tpu.memory_space<hbm>>
    tpu.enqueue_dma source(%dma_start3A_9 : memref<256x128xf32, #tpu.memory_space<hbm>>) target(%arg4 : memref<256x128xf32, #tpu.memory_space<vmem>>) target_semaphore(%arg6 : memref<!tpu.dma_semaphore, #tpu.memory_space<semaphore_mem>>)
    %add3A_10 = arith.constant 0 : i32
    %add3A_11 = arith.addi %add3A_4, %add3A_10 : i32
    %dma_wait3A = arith.constant 0 : i32
    %dma_wait3A_12 = tpu.memref_slice %arg2[%add3A_11, %dma_wait3A] : memref<262144x128xf32, #tpu.memory_space<hbm>> -> memref<256x128xf32, #tpu.memory_space<hbm>>
    %dma_wait3A_13 = arith.constant 0 : i32
    %dma_wait3A_14 = tpu.memref_slice %arg2[%add3A_11, %dma_wait3A_13] : memref<262144x128xf32, #tpu.memory_space<hbm>> -> memref<256x128xf32, #tpu.memory_space<hbm>>
    tpu.wait_dma2 semaphore(%arg6 : memref<!tpu.dma_semaphore, #tpu.memory_space<semaphore_mem>>) src(%dma_wait3A_14 : memref<256x128xf32, #tpu.memory_space<hbm>>) dst(%arg4 : memref<256x128xf32, #tpu.memory_space<vmem>>)
    %add3A_15 = arith.constant 0 : i32
    %add3A_16 = arith.addi %add3A_4, %add3A_15 : i32
    %dma_start3A_17 = arith.constant 0 : i32
    %dma_start3A_18 = tpu.memref_slice %arg3[%add3A_16, %dma_start3A_17] : memref<262144x128xf32, #tpu.memory_space<hbm>> -> memref<256x128xf32, #tpu.memory_space<hbm>>
    %dma_start3A_19 = arith.constant 0 : i32
    %dma_start3A_20 = tpu.memref_slice %arg3[%add3A_16, %dma_start3A_19] : memref<262144x128xf32, #tpu.memory_space<hbm>> -> memref<256x128xf32, #tpu.memory_space<hbm>>
    tpu.enqueue_dma source(%arg4 : memref<256x128xf32, #tpu.memory_space<vmem>>) target(%dma_start3A_20 : memref<256x128xf32, #tpu.memory_space<hbm>>) target_semaphore(%arg8 : memref<!tpu.dma_semaphore, #tpu.memory_space<semaphore_mem>>)
    %add3A_21 = arith.constant 256 : i32
    %add3A_22 = arith.addi %add3A_4, %add3A_21 : i32
    %dma_start3A_23 = arith.constant 0 : i32
    %dma_start3A_24 = tpu.memref_slice %arg2[%add3A_22, %dma_start3A_23] : memref<262144x128xf32, #tpu.memory_space<hbm>> -> memref<256x128xf32, #tpu.memory_space<hbm>>
    %dma_start3A_25 = arith.constant 0 : i32
    %dma_start3A_26 = tpu.memref_slice %arg2[%add3A_22, %dma_start3A_25] : memref<262144x128xf32, #tpu.memory_space<hbm>> -> memref<256x128xf32, #tpu.memory_space<hbm>>
    tpu.enqueue_dma source(%dma_start3A_26 : memref<256x128xf32, #tpu.memory_space<hbm>>) target(%arg5 : memref<256x128xf32, #tpu.memory_space<vmem>>) target_semaphore(%arg7 : memref<!tpu.dma_semaphore, #tpu.memory_space<semaphore_mem>>)
    %add3A_27 = arith.constant 256 : i32
    %add3A_28 = arith.addi %add3A_4, %add3A_27 : i32
    %dma_wait3A_29 = arith.constant 0 : i32
    %dma_wait3A_30 = tpu.memref_slice %arg2[%add3A_28, %dma_wait3A_29] : memref<262144x128xf32, #tpu.memory_space<hbm>> -> memref<256x128xf32, #tpu.memory_space<hbm>>
    %dma_wait3A_31 = arith.constant 0 : i32
    %dma_wait3A_32 = tpu.memref_slice %arg2[%add3A_28, %dma_wait3A_31] : memref<262144x128xf32, #tpu.memory_space<hbm>> -> memref<256x128xf32, #tpu.memory_space<hbm>>
    tpu.wait_dma2 semaphore(%arg7 : memref<!tpu.dma_semaphore, #tpu.memory_space<semaphore_mem>>) src(%dma_wait3A_32 : memref<256x128xf32, #tpu.memory_space<hbm>>) dst(%arg5 : memref<256x128xf32, #tpu.memory_space<vmem>>)
    %add3A_33 = arith.constant 256 : i32
    %add3A_34 = arith.addi %add3A_4, %add3A_33 : i32
    %dma_start3A_35 = arith.constant 0 : i32
    %dma_start3A_36 = tpu.memref_slice %arg3[%add3A_34, %dma_start3A_35] : memref<262144x128xf32, #tpu.memory_space<hbm>> -> memref<256x128xf32, #tpu.memory_space<hbm>>
    %dma_start3A_37 = arith.constant 0 : i32
    %dma_start3A_38 = tpu.memref_slice %arg3[%add3A_34, %dma_start3A_37] : memref<262144x128xf32, #tpu.memory_space<hbm>> -> memref<256x128xf32, #tpu.memory_space<hbm>>
    tpu.enqueue_dma source(%arg5 : memref<256x128xf32, #tpu.memory_space<vmem>>) target(%dma_start3A_38 : memref<256x128xf32, #tpu.memory_space<hbm>>) target_semaphore(%arg9 : memref<!tpu.dma_semaphore, #tpu.memory_space<semaphore_mem>>)
    %add3A_39 = arith.constant 0 : i32
    %add3A_40 = arith.addi %add3A_4, %add3A_39 : i32
    %dma_wait3A_41 = arith.constant 0 : i32
    %dma_wait3A_42 = tpu.memref_slice %arg3[%add3A_40, %dma_wait3A_41] : memref<262144x128xf32, #tpu.memory_space<hbm>> -> memref<256x128xf32, #tpu.memory_space<hbm>>
    %dma_wait3A_43 = arith.constant 0 : i32
    %dma_wait3A_44 = tpu.memref_slice %arg3[%add3A_40, %dma_wait3A_43] : memref<262144x128xf32, #tpu.memory_space<hbm>> -> memref<256x128xf32, #tpu.memory_space<hbm>>
    tpu.wait_dma2 semaphore(%arg8 : memref<!tpu.dma_semaphore, #tpu.memory_space<semaphore_mem>>) src(%arg4 : memref<256x128xf32, #tpu.memory_space<vmem>>) dst(%dma_wait3A_44 : memref<256x128xf32, #tpu.memory_space<hbm>>)
    %add3A_45 = arith.constant 512 : i32
    %add3A_46 = arith.addi %add3A_4, %add3A_45 : i32
    %dma_start3A_47 = arith.constant 0 : i32
    %dma_start3A_48 = tpu.memref_slice %arg2[%add3A_46, %dma_start3A_47] : memref<262144x128xf32, #tpu.memory_space<hbm>> -> memref<256x128xf32, #tpu.memory_space<hbm>>
    %dma_start3A_49 = arith.constant 0 : i32
    %dma_start3A_50 = tpu.memref_slice %arg2[%add3A_46, %dma_start3A_49] : memref<262144x128xf32, #tpu.memory_space<hbm>> -> memref<256x128xf32, #tpu.memory_space<hbm>>
    tpu.enqueue_dma source(%dma_start3A_50 : memref<256x128xf32, #tpu.memory_space<hbm>>) target(%arg4 : memref<256x128xf32, #tpu.memory_space<vmem>>) target_semaphore(%arg6 : memref<!tpu.dma_semaphore, #tpu.memory_space<semaphore_mem>>)
    %add3A_51 = arith.constant 512 : i32
    %add3A_52 = arith.addi %add3A_4, %add3A_51 : i32
    %dma_wait3A_53 = arith.constant 0 : i32
    %dma_wait3A_54 = tpu.memref_slice %arg2[%add3A_52, %dma_wait3A_53] : memref<262144x128xf32, #tpu.memory_space<hbm>> -> memref<256x128xf32, #tpu.memory_space<hbm>>
    %dma_wait3A_55 = arith.constant 0 : i32
    %dma_wait3A_56 = tpu.memref_slice %arg2[%add3A_52, %dma_wait3A_55] : memref<262144x128xf32, #tpu.memory_space<hbm>> -> memref<256x128xf32, #tpu.memory_space<hbm>>
    tpu.wait_dma2 semaphore(%arg6 : memref<!tpu.dma_semaphore, #tpu.memory_space<semaphore_mem>>) src(%dma_wait3A_56 : memref<256x128xf32, #tpu.memory_space<hbm>>) dst(%arg4 : memref<256x128xf32, #tpu.memory_space<vmem>>)
    %add3A_57 = arith.constant 512 : i32
    %add3A_58 = arith.addi %add3A_4, %add3A_57 : i32
    %dma_start3A_59 = arith.constant 0 : i32
    %dma_start3A_60 = tpu.memref_slice %arg3[%add3A_58, %dma_start3A_59] : memref<262144x128xf32, #tpu.memory_space<hbm>> -> memref<256x128xf32, #tpu.memory_space<hbm>>
    %dma_start3A_61 = arith.constant 0 : i32
    %dma_start3A_62 = tpu.memref_slice %arg3[%add3A_58, %dma_start3A_61] : memref<262144x128xf32, #tpu.memory_space<hbm>> -> memref<256x128xf32, #tpu.memory_space<hbm>>
    tpu.enqueue_dma source(%arg4 : memref<256x128xf32, #tpu.memory_space<vmem>>) target(%dma_start3A_62 : memref<256x128xf32, #tpu.memory_space<hbm>>) target_semaphore(%arg8 : memref<!tpu.dma_semaphore, #tpu.memory_space<semaphore_mem>>)
    %add3A_63 = arith.constant 256 : i32
    %add3A_64 = arith.addi %add3A_4, %add3A_63 : i32
    %dma_wait3A_65 = arith.constant 0 : i32
    %dma_wait3A_66 = tpu.memref_slice %arg3[%add3A_64, %dma_wait3A_65] : memref<262144x128xf32, #tpu.memory_space<hbm>> -> memref<256x128xf32, #tpu.memory_space<hbm>>
    %dma_wait3A_67 = arith.constant 0 : i32
    %dma_wait3A_68 = tpu.memref_slice %arg3[%add3A_64, %dma_wait3A_67] : memref<262144x128xf32, #tpu.memory_space<hbm>> -> memref<256x128xf32, #tpu.memory_space<hbm>>
    tpu.wait_dma2 semaphore(%arg9 : memref<!tpu.dma_semaphore, #tpu.memory_space<semaphore_mem>>) src(%arg5 : memref<256x128xf32, #tpu.memory_space<vmem>>) dst(%dma_wait3A_68 : memref<256x128xf32, #tpu.memory_space<hbm>>)
    %add3A_69 = arith.constant 768 : i32
    %add3A_70 = arith.addi %add3A_4, %add3A_69 : i32
    %dma_start3A_71 = arith.constant 0 : i32
    %dma_start3A_72 = tpu.memref_slice %arg2[%add3A_70, %dma_start3A_71] : memref<262144x128xf32, #tpu.memory_space<hbm>> -> memref<256x128xf32, #tpu.memory_space<hbm>>
    %dma_start3A_73 = arith.constant 0 : i32
    %dma_start3A_74 = tpu.memref_slice %arg2[%add3A_70, %dma_start3A_73] : memref<262144x128xf32, #tpu.memory_space<hbm>> -> memref<256x128xf32, #tpu.memory_space<hbm>>
    tpu.enqueue_dma source(%dma_start3A_74 : memref<256x128xf32, #tpu.memory_space<hbm>>) target(%arg5 : memref<256x128xf32, #tpu.memory_space<vmem>>) target_semaphore(%arg7 : memref<!tpu.dma_semaphore, #tpu.memory_space<semaphore_mem>>)
    %add3A_75 = arith.constant 768 : i32
    %add3A_76 = arith.addi %add3A_4, %add3A_75 : i32
    %dma_wait3A_77 = arith.constant 0 : i32
    %dma_wait3A_78 = tpu.memref_slice %arg2[%add3A_76, %dma_wait3A_77] : memref<262144x128xf32, #tpu.memory_space<hbm>> -> memref<256x128xf32, #tpu.memory_space<hbm>>
    %dma_wait3A_79 = arith.constant 0 : i32
    %dma_wait3A_80 = tpu.memref_slice %arg2[%add3A_76, %dma_wait3A_79] : memref<262144x128xf32, #tpu.memory_space<hbm>> -> memref<256x128xf32, #tpu.memory_space<hbm>>
    tpu.wait_dma2 semaphore(%arg7 : memref<!tpu.dma_semaphore, #tpu.memory_space<semaphore_mem>>) src(%dma_wait3A_80 : memref<256x128xf32, #tpu.memory_space<hbm>>) dst(%arg5 : memref<256x128xf32, #tpu.memory_space<vmem>>)
    %add3A_81 = arith.constant 768 : i32
    %add3A_82 = arith.addi %add3A_4, %add3A_81 : i32
    %dma_start3A_83 = arith.constant 0 : i32
    %dma_start3A_84 = tpu.memref_slice %arg3[%add3A_82, %dma_start3A_83] : memref<262144x128xf32, #tpu.memory_space<hbm>> -> memref<256x128xf32, #tpu.memory_space<hbm>>
    %dma_start3A_85 = arith.constant 0 : i32
    %dma_start3A_86 = tpu.memref_slice %arg3[%add3A_82, %dma_start3A_85] : memref<262144x128xf32, #tpu.memory_space<hbm>> -> memref<256x128xf32, #tpu.memory_space<hbm>>
    tpu.enqueue_dma source(%arg5 : memref<256x128xf32, #tpu.memory_space<vmem>>) target(%dma_start3A_86 : memref<256x128xf32, #tpu.memory_space<hbm>>) target_semaphore(%arg9 : memref<!tpu.dma_semaphore, #tpu.memory_space<semaphore_mem>>)
    %add3A_87 = arith.constant 512 : i32
    %add3A_88 = arith.addi %add3A_4, %add3A_87 : i32
    %dma_wait3A_89 = arith.constant 0 : i32
    %dma_wait3A_90 = tpu.memref_slice %arg3[%add3A_88, %dma_wait3A_89] : memref<262144x128xf32, #tpu.memory_space<hbm>> -> memref<256x128xf32, #tpu.memory_space<hbm>>
    %dma_wait3A_91 = arith.constant 0 : i32
    %dma_wait3A_92 = tpu.memref_slice %arg3[%add3A_88, %dma_wait3A_91] : memref<262144x128xf32, #tpu.memory_space<hbm>> -> memref<256x128xf32, #tpu.memory_space<hbm>>
    tpu.wait_dma2 semaphore(%arg8 : memref<!tpu.dma_semaphore, #tpu.memory_space<semaphore_mem>>) src(%arg4 : memref<256x128xf32, #tpu.memory_space<vmem>>) dst(%dma_wait3A_92 : memref<256x128xf32, #tpu.memory_space<hbm>>)
    %add3A_93 = arith.constant 1024 : i32
    %add3A_94 = arith.addi %add3A_4, %add3A_93 : i32
    %dma_start3A_95 = arith.constant 0 : i32
    %dma_start3A_96 = tpu.memref_slice %arg2[%add3A_94, %dma_start3A_95] : memref<262144x128xf32, #tpu.memory_space<hbm>> -> memref<256x128xf32, #tpu.memory_space<hbm>>
    %dma_start3A_97 = arith.constant 0 : i32
    %dma_start3A_98 = tpu.memref_slice %arg2[%add3A_94, %dma_start3A_97] : memref<262144x128xf32, #tpu.memory_space<hbm>> -> memref<256x128xf32, #tpu.memory_space<hbm>>
    tpu.enqueue_dma source(%dma_start3A_98 : memref<256x128xf32, #tpu.memory_space<hbm>>) target(%arg4 : memref<256x128xf32, #tpu.memory_space<vmem>>) target_semaphore(%arg6 : memref<!tpu.dma_semaphore, #tpu.memory_space<semaphore_mem>>)
    %add3A_99 = arith.constant 1024 : i32
    %add3A_100 = arith.addi %add3A_4, %add3A_99 : i32
    %dma_wait3A_101 = arith.constant 0 : i32
    %dma_wait3A_102 = tpu.memref_slice %arg2[%add3A_100, %dma_wait3A_101] : memref<262144x128xf32, #tpu.memory_space<hbm>> -> memref<256x128xf32, #tpu.memory_space<hbm>>
    %dma_wait3A_103 = arith.constant 0 : i32
    %dma_wait3A_104 = tpu.memref_slice %arg2[%add3A_100, %dma_wait3A_103] : memref<262144x128xf32, #tpu.memory_space<hbm>> -> memref<256x128xf32, #tpu.memory_space<hbm>>
    tpu.wait_dma2 semaphore(%arg6 : memref<!tpu.dma_semaphore, #tpu.memory_space<semaphore_mem>>) src(%dma_wait3A_104 : memref<256x128xf32, #tpu.memory_space<hbm>>) dst(%arg4 : memref<256x128xf32, #tpu.memory_space<vmem>>)
    %add3A_105 = arith.constant 1024 : i32
    %add3A_106 = arith.addi %add3A_4, %add3A_105 : i32
    %dma_start3A_107 = arith.constant 0 : i32
    %dma_start3A_108 = tpu.memref_slice %arg3[%add3A_106, %dma_start3A_107] : memref<262144x128xf32, #tpu.memory_space<hbm>> -> memref<256x128xf32, #tpu.memory_space<hbm>>
    %dma_start3A_109 = arith.constant 0 : i32
    %dma_start3A_110 = tpu.memref_slice %arg3[%add3A_106, %dma_start3A_109] : memref<262144x128xf32, #tpu.memory_space<hbm>> -> memref<256x128xf32, #tpu.memory_space<hbm>>
    tpu.enqueue_dma source(%arg4 : memref<256x128xf32, #tpu.memory_space<vmem>>) target(%dma_start3A_110 : memref<256x128xf32, #tpu.memory_space<hbm>>) target_semaphore(%arg8 : memref<!tpu.dma_semaphore, #tpu.memory_space<semaphore_mem>>)
    %add3A_111 = arith.constant 768 : i32
    %add3A_112 = arith.addi %add3A_4, %add3A_111 : i32
    %dma_wait3A_113 = arith.constant 0 : i32
    %dma_wait3A_114 = tpu.memref_slice %arg3[%add3A_112, %dma_wait3A_113] : memref<262144x128xf32, #tpu.memory_space<hbm>> -> memref<256x128xf32, #tpu.memory_space<hbm>>
    %dma_wait3A_115 = arith.constant 0 : i32
    %dma_wait3A_116 = tpu.memref_slice %arg3[%add3A_112, %dma_wait3A_115] : memref<262144x128xf32, #tpu.memory_space<hbm>> -> memref<256x128xf32, #tpu.memory_space<hbm>>
    tpu.wait_dma2 semaphore(%arg9 : memref<!tpu.dma_semaphore, #tpu.memory_space<semaphore_mem>>) src(%arg5 : memref<256x128xf32, #tpu.memory_space<vmem>>) dst(%dma_wait3A_116 : memref<256x128xf32, #tpu.memory_space<hbm>>)
    %add3A_117 = arith.constant 1280 : i32
    %add3A_118 = arith.addi %add3A_4, %add3A_117 : i32
    %dma_start3A_119 = arith.constant 0 : i32
    %dma_start3A_120 = tpu.memref_slice %arg2[%add3A_118, %dma_start3A_119] : memref<262144x128xf32, #tpu.memory_space<hbm>> -> memref<256x128xf32, #tpu.memory_space<hbm>>
    %dma_start3A_121 = arith.constant 0 : i32
    %dma_start3A_122 = tpu.memref_slice %arg2[%add3A_118, %dma_start3A_121] : memref<262144x128xf32, #tpu.memory_space<hbm>> -> memref<256x128xf32, #tpu.memory_space<hbm>>
    tpu.enqueue_dma source(%dma_start3A_122 : memref<256x128xf32, #tpu.memory_space<hbm>>) target(%arg5 : memref<256x128xf32, #tpu.memory_space<vmem>>) target_semaphore(%arg7 : memref<!tpu.dma_semaphore, #tpu.memory_space<semaphore_mem>>)
    %add3A_123 = arith.constant 1280 : i32
    %add3A_124 = arith.addi %add3A_4, %add3A_123 : i32
    %dma_wait3A_125 = arith.constant 0 : i32
    %dma_wait3A_126 = tpu.memref_slice %arg2[%add3A_124, %dma_wait3A_125] : memref<262144x128xf32, #tpu.memory_space<hbm>> -> memref<256x128xf32, #tpu.memory_space<hbm>>
    %dma_wait3A_127 = arith.constant 0 : i32
    %dma_wait3A_128 = tpu.memref_slice %arg2[%add3A_124, %dma_wait3A_127] : memref<262144x128xf32, #tpu.memory_space<hbm>> -> memref<256x128xf32, #tpu.memory_space<hbm>>
    tpu.wait_dma2 semaphore(%arg7 : memref<!tpu.dma_semaphore, #tpu.memory_space<semaphore_mem>>) src(%dma_wait3A_128 : memref<256x128xf32, #tpu.memory_space<hbm>>) dst(%arg5 : memref<256x128xf32, #tpu.memory_space<vmem>>)
    %add3A_129 = arith.constant 1280 : i32
    %add3A_130 = arith.addi %add3A_4, %add3A_129 : i32
    %dma_start3A_131 = arith.constant 0 : i32
    %dma_start3A_132 = tpu.memref_slice %arg3[%add3A_130, %dma_start3A_131] : memref<262144x128xf32, #tpu.memory_space<hbm>> -> memref<256x128xf32, #tpu.memory_space<hbm>>
    %dma_start3A_133 = arith.constant 0 : i32
    %dma_start3A_134 = tpu.memref_slice %arg3[%add3A_130, %dma_start3A_133] : memref<262144x128xf32, #tpu.memory_space<hbm>> -> memref<256x128xf32, #tpu.memory_space<hbm>>
    tpu.enqueue_dma source(%arg5 : memref<256x128xf32, #tpu.memory_space<vmem>>) target(%dma_start3A_134 : memref<256x128xf32, #tpu.memory_space<hbm>>) target_semaphore(%arg9 : memref<!tpu.dma_semaphore, #tpu.memory_space<semaphore_mem>>)
    %add3A_135 = arith.constant 1024 : i32
    %add3A_136 = arith.addi %add3A_4, %add3A_135 : i32
    %dma_wait3A_137 = arith.constant 0 : i32
    %dma_wait3A_138 = tpu.memref_slice %arg3[%add3A_136, %dma_wait3A_137] : memref<262144x128xf32, #tpu.memory_space<hbm>> -> memref<256x128xf32, #tpu.memory_space<hbm>>
    %dma_wait3A_139 = arith.constant 0 : i32
    %dma_wait3A_140 = tpu.memref_slice %arg3[%add3A_136, %dma_wait3A_139] : memref<262144x128xf32, #tpu.memory_space<hbm>> -> memref<256x128xf32, #tpu.memory_space<hbm>>
    tpu.wait_dma2 semaphore(%arg8 : memref<!tpu.dma_semaphore, #tpu.memory_space<semaphore_mem>>) src(%arg4 : memref<256x128xf32, #tpu.memory_space<vmem>>) dst(%dma_wait3A_140 : memref<256x128xf32, #tpu.memory_space<hbm>>)
    %add3A_141 = arith.constant 1536 : i32
    %add3A_142 = arith.addi %add3A_4, %add3A_141 : i32
    %dma_start3A_143 = arith.constant 0 : i32
    %dma_start3A_144 = tpu.memref_slice %arg2[%add3A_142, %dma_start3A_143] : memref<262144x128xf32, #tpu.memory_space<hbm>> -> memref<256x128xf32, #tpu.memory_space<hbm>>
    %dma_start3A_145 = arith.constant 0 : i32
    %dma_start3A_146 = tpu.memref_slice %arg2[%add3A_142, %dma_start3A_145] : memref<262144x128xf32, #tpu.memory_space<hbm>> -> memref<256x128xf32, #tpu.memory_space<hbm>>
    tpu.enqueue_dma source(%dma_start3A_146 : memref<256x128xf32, #tpu.memory_space<hbm>>) target(%arg4 : memref<256x128xf32, #tpu.memory_space<vmem>>) target_semaphore(%arg6 : memref<!tpu.dma_semaphore, #tpu.memory_space<semaphore_mem>>)
    %add3A_147 = arith.constant 1536 : i32
    %add3A_148 = arith.addi %add3A_4, %add3A_147 : i32
    %dma_wait3A_149 = arith.constant 0 : i32
    %dma_wait3A_150 = tpu.memref_slice %arg2[%add3A_148, %dma_wait3A_149] : memref<262144x128xf32, #tpu.memory_space<hbm>> -> memref<256x128xf32, #tpu.memory_space<hbm>>
    %dma_wait3A_151 = arith.constant 0 : i32
    %dma_wait3A_152 = tpu.memref_slice %arg2[%add3A_148, %dma_wait3A_151] : memref<262144x128xf32, #tpu.memory_space<hbm>> -> memref<256x128xf32, #tpu.memory_space<hbm>>
    tpu.wait_dma2 semaphore(%arg6 : memref<!tpu.dma_semaphore, #tpu.memory_space<semaphore_mem>>) src(%dma_wait3A_152 : memref<256x128xf32, #tpu.memory_space<hbm>>) dst(%arg4 : memref<256x128xf32, #tpu.memory_space<vmem>>)
    %add3A_153 = arith.constant 1536 : i32
    %add3A_154 = arith.addi %add3A_4, %add3A_153 : i32
    %dma_start3A_155 = arith.constant 0 : i32
    %dma_start3A_156 = tpu.memref_slice %arg3[%add3A_154, %dma_start3A_155] : memref<262144x128xf32, #tpu.memory_space<hbm>> -> memref<256x128xf32, #tpu.memory_space<hbm>>
    %dma_start3A_157 = arith.constant 0 : i32
    %dma_start3A_158 = tpu.memref_slice %arg3[%add3A_154, %dma_start3A_157] : memref<262144x128xf32, #tpu.memory_space<hbm>> -> memref<256x128xf32, #tpu.memory_space<hbm>>
    tpu.enqueue_dma source(%arg4 : memref<256x128xf32, #tpu.memory_space<vmem>>) target(%dma_start3A_158 : memref<256x128xf32, #tpu.memory_space<hbm>>) target_semaphore(%arg8 : memref<!tpu.dma_semaphore, #tpu.memory_space<semaphore_mem>>)
    %add3A_159 = arith.constant 1280 : i32
    %add3A_160 = arith.addi %add3A_4, %add3A_159 : i32
    %dma_wait3A_161 = arith.constant 0 : i32
    %dma_wait3A_162 = tpu.memref_slice %arg3[%add3A_160, %dma_wait3A_161] : memref<262144x128xf32, #tpu.memory_space<hbm>> -> memref<256x128xf32, #tpu.memory_space<hbm>>
    %dma_wait3A_163 = arith.constant 0 : i32
    %dma_wait3A_164 = tpu.memref_slice %arg3[%add3A_160, %dma_wait3A_163] : memref<262144x128xf32, #tpu.memory_space<hbm>> -> memref<256x128xf32, #tpu.memory_space<hbm>>
    tpu.wait_dma2 semaphore(%arg9 : memref<!tpu.dma_semaphore, #tpu.memory_space<semaphore_mem>>) src(%arg5 : memref<256x128xf32, #tpu.memory_space<vmem>>) dst(%dma_wait3A_164 : memref<256x128xf32, #tpu.memory_space<hbm>>)
    %add3A_165 = arith.constant 1792 : i32
    %add3A_166 = arith.addi %add3A_4, %add3A_165 : i32
    %dma_start3A_167 = arith.constant 0 : i32
    %dma_start3A_168 = tpu.memref_slice %arg2[%add3A_166, %dma_start3A_167] : memref<262144x128xf32, #tpu.memory_space<hbm>> -> memref<256x128xf32, #tpu.memory_space<hbm>>
    %dma_start3A_169 = arith.constant 0 : i32
    %dma_start3A_170 = tpu.memref_slice %arg2[%add3A_166, %dma_start3A_169] : memref<262144x128xf32, #tpu.memory_space<hbm>> -> memref<256x128xf32, #tpu.memory_space<hbm>>
    tpu.enqueue_dma source(%dma_start3A_170 : memref<256x128xf32, #tpu.memory_space<hbm>>) target(%arg5 : memref<256x128xf32, #tpu.memory_space<vmem>>) target_semaphore(%arg7 : memref<!tpu.dma_semaphore, #tpu.memory_space<semaphore_mem>>)
    %add3A_171 = arith.constant 1792 : i32
    %add3A_172 = arith.addi %add3A_4, %add3A_171 : i32
    %dma_wait3A_173 = arith.constant 0 : i32
    %dma_wait3A_174 = tpu.memref_slice %arg2[%add3A_172, %dma_wait3A_173] : memref<262144x128xf32, #tpu.memory_space<hbm>> -> memref<256x128xf32, #tpu.memory_space<hbm>>
    %dma_wait3A_175 = arith.constant 0 : i32
    %dma_wait3A_176 = tpu.memref_slice %arg2[%add3A_172, %dma_wait3A_175] : memref<262144x128xf32, #tpu.memory_space<hbm>> -> memref<256x128xf32, #tpu.memory_space<hbm>>
    tpu.wait_dma2 semaphore(%arg7 : memref<!tpu.dma_semaphore, #tpu.memory_space<semaphore_mem>>) src(%dma_wait3A_176 : memref<256x128xf32, #tpu.memory_space<hbm>>) dst(%arg5 : memref<256x128xf32, #tpu.memory_space<vmem>>)
    %add3A_177 = arith.constant 1792 : i32
    %add3A_178 = arith.addi %add3A_4, %add3A_177 : i32
    %dma_start3A_179 = arith.constant 0 : i32
    %dma_start3A_180 = tpu.memref_slice %arg3[%add3A_178, %dma_start3A_179] : memref<262144x128xf32, #tpu.memory_space<hbm>> -> memref<256x128xf32, #tpu.memory_space<hbm>>
    %dma_start3A_181 = arith.constant 0 : i32
    %dma_start3A_182 = tpu.memref_slice %arg3[%add3A_178, %dma_start3A_181] : memref<262144x128xf32, #tpu.memory_space<hbm>> -> memref<256x128xf32, #tpu.memory_space<hbm>>
    tpu.enqueue_dma source(%arg5 : memref<256x128xf32, #tpu.memory_space<vmem>>) target(%dma_start3A_182 : memref<256x128xf32, #tpu.memory_space<hbm>>) target_semaphore(%arg9 : memref<!tpu.dma_semaphore, #tpu.memory_space<semaphore_mem>>)
    %add3A_183 = arith.constant 1536 : i32
    %add3A_184 = arith.addi %add3A_4, %add3A_183 : i32
    %dma_wait3A_185 = arith.constant 0 : i32
    %dma_wait3A_186 = tpu.memref_slice %arg3[%add3A_184, %dma_wait3A_185] : memref<262144x128xf32, #tpu.memory_space<hbm>> -> memref<256x128xf32, #tpu.memory_space<hbm>>
    %dma_wait3A_187 = arith.constant 0 : i32
    %dma_wait3A_188 = tpu.memref_slice %arg3[%add3A_184, %dma_wait3A_187] : memref<262144x128xf32, #tpu.memory_space<hbm>> -> memref<256x128xf32, #tpu.memory_space<hbm>>
    tpu.wait_dma2 semaphore(%arg8 : memref<!tpu.dma_semaphore, #tpu.memory_space<semaphore_mem>>) src(%arg4 : memref<256x128xf32, #tpu.memory_space<vmem>>) dst(%dma_wait3A_188 : memref<256x128xf32, #tpu.memory_space<hbm>>)
    %add3A_189 = arith.constant 2048 : i32
    %add3A_190 = arith.addi %add3A_4, %add3A_189 : i32
    %dma_start3A_191 = arith.constant 0 : i32
    %dma_start3A_192 = tpu.memref_slice %arg2[%add3A_190, %dma_start3A_191] : memref<262144x128xf32, #tpu.memory_space<hbm>> -> memref<256x128xf32, #tpu.memory_space<hbm>>
    %dma_start3A_193 = arith.constant 0 : i32
    %dma_start3A_194 = tpu.memref_slice %arg2[%add3A_190, %dma_start3A_193] : memref<262144x128xf32, #tpu.memory_space<hbm>> -> memref<256x128xf32, #tpu.memory_space<hbm>>
    tpu.enqueue_dma source(%dma_start3A_194 : memref<256x128xf32, #tpu.memory_space<hbm>>) target(%arg4 : memref<256x128xf32, #tpu.memory_space<vmem>>) target_semaphore(%arg6 : memref<!tpu.dma_semaphore, #tpu.memory_space<semaphore_mem>>)
    %add3A_195 = arith.constant 2048 : i32
    %add3A_196 = arith.addi %add3A_4, %add3A_195 : i32
    %dma_wait3A_197 = arith.constant 0 : i32
    %dma_wait3A_198 = tpu.memref_slice %arg2[%add3A_196, %dma_wait3A_197] : memref<262144x128xf32, #tpu.memory_space<hbm>> -> memref<256x128xf32, #tpu.memory_space<hbm>>
    %dma_wait3A_199 = arith.constant 0 : i32
    %dma_wait3A_200 = tpu.memref_slice %arg2[%add3A_196, %dma_wait3A_199] : memref<262144x128xf32, #tpu.memory_space<hbm>> -> memref<256x128xf32, #tpu.memory_space<hbm>>
    tpu.wait_dma2 semaphore(%arg6 : memref<!tpu.dma_semaphore, #tpu.memory_space<semaphore_mem>>) src(%dma_wait3A_200 : memref<256x128xf32, #tpu.memory_space<hbm>>) dst(%arg4 : memref<256x128xf32, #tpu.memory_space<vmem>>)
    %add3A_201 = arith.constant 2048 : i32
    %add3A_202 = arith.addi %add3A_4, %add3A_201 : i32
    %dma_start3A_203 = arith.constant 0 : i32
    %dma_start3A_204 = tpu.memref_slice %arg3[%add3A_202, %dma_start3A_203] : memref<262144x128xf32, #tpu.memory_space<hbm>> -> memref<256x128xf32, #tpu.memory_space<hbm>>
    %dma_start3A_205 = arith.constant 0 : i32
    %dma_start3A_206 = tpu.memref_slice %arg3[%add3A_202, %dma_start3A_205] : memref<262144x128xf32, #tpu.memory_space<hbm>> -> memref<256x128xf32, #tpu.memory_space<hbm>>
    tpu.enqueue_dma source(%arg4 : memref<256x128xf32, #tpu.memory_space<vmem>>) target(%dma_start3A_206 : memref<256x128xf32, #tpu.memory_space<hbm>>) target_semaphore(%arg8 : memref<!tpu.dma_semaphore, #tpu.memory_space<semaphore_mem>>)
    %add3A_207 = arith.constant 1792 : i32
    %add3A_208 = arith.addi %add3A_4, %add3A_207 : i32
    %dma_wait3A_209 = arith.constant 0 : i32
    %dma_wait3A_210 = tpu.memref_slice %arg3[%add3A_208, %dma_wait3A_209] : memref<262144x128xf32, #tpu.memory_space<hbm>> -> memref<256x128xf32, #tpu.memory_space<hbm>>
    %dma_wait3A_211 = arith.constant 0 : i32
    %dma_wait3A_212 = tpu.memref_slice %arg3[%add3A_208, %dma_wait3A_211] : memref<262144x128xf32, #tpu.memory_space<hbm>> -> memref<256x128xf32, #tpu.memory_space<hbm>>
    tpu.wait_dma2 semaphore(%arg9 : memref<!tpu.dma_semaphore, #tpu.memory_space<semaphore_mem>>) src(%arg5 : memref<256x128xf32, #tpu.memory_space<vmem>>) dst(%dma_wait3A_212 : memref<256x128xf32, #tpu.memory_space<hbm>>)
    %add3A_213 = arith.constant 2304 : i32
    %add3A_214 = arith.addi %add3A_4, %add3A_213 : i32
    %dma_start3A_215 = arith.constant 0 : i32
    %dma_start3A_216 = tpu.memref_slice %arg2[%add3A_214, %dma_start3A_215] : memref<262144x128xf32, #tpu.memory_space<hbm>> -> memref<256x128xf32, #tpu.memory_space<hbm>>
    %dma_start3A_217 = arith.constant 0 : i32
    %dma_start3A_218 = tpu.memref_slice %arg2[%add3A_214, %dma_start3A_217] : memref<262144x128xf32, #tpu.memory_space<hbm>> -> memref<256x128xf32, #tpu.memory_space<hbm>>
    tpu.enqueue_dma source(%dma_start3A_218 : memref<256x128xf32, #tpu.memory_space<hbm>>) target(%arg5 : memref<256x128xf32, #tpu.memory_space<vmem>>) target_semaphore(%arg7 : memref<!tpu.dma_semaphore, #tpu.memory_space<semaphore_mem>>)
    %add3A_219 = arith.constant 2304 : i32
    %add3A_220 = arith.addi %add3A_4, %add3A_219 : i32
    %dma_wait3A_221 = arith.constant 0 : i32
    %dma_wait3A_222 = tpu.memref_slice %arg2[%add3A_220, %dma_wait3A_221] : memref<262144x128xf32, #tpu.memory_space<hbm>> -> memref<256x128xf32, #tpu.memory_space<hbm>>
    %dma_wait3A_223 = arith.constant 0 : i32
    %dma_wait3A_224 = tpu.memref_slice %arg2[%add3A_220, %dma_wait3A_223] : memref<262144x128xf32, #tpu.memory_space<hbm>> -> memref<256x128xf32, #tpu.memory_space<hbm>>
    tpu.wait_dma2 semaphore(%arg7 : memref<!tpu.dma_semaphore, #tpu.memory_space<semaphore_mem>>) src(%dma_wait3A_224 : memref<256x128xf32, #tpu.memory_space<hbm>>) dst(%arg5 : memref<256x128xf32, #tpu.memory_space<vmem>>)
    %add3A_225 = arith.constant 2304 : i32
    %add3A_226 = arith.addi %add3A_4, %add3A_225 : i32
    %dma_start3A_227 = arith.constant 0 : i32
    %dma_start3A_228 = tpu.memref_slice %arg3[%add3A_226, %dma_start3A_227] : memref<262144x128xf32, #tpu.memory_space<hbm>> -> memref<256x128xf32, #tpu.memory_space<hbm>>
    %dma_start3A_229 = arith.constant 0 : i32
    %dma_start3A_230 = tpu.memref_slice %arg3[%add3A_226, %dma_start3A_229] : memref<262144x128xf32, #tpu.memory_space<hbm>> -> memref<256x128xf32, #tpu.memory_space<hbm>>
    tpu.enqueue_dma source(%arg5 : memref<256x128xf32, #tpu.memory_space<vmem>>) target(%dma_start3A_230 : memref<256x128xf32, #tpu.memory_space<hbm>>) target_semaphore(%arg9 : memref<!tpu.dma_semaphore, #tpu.memory_space<semaphore_mem>>)
    %add3A_231 = arith.constant 2048 : i32
    %add3A_232 = arith.addi %add3A_4, %add3A_231 : i32
    %dma_wait3A_233 = arith.constant 0 : i32
    %dma_wait3A_234 = tpu.memref_slice %arg3[%add3A_232, %dma_wait3A_233] : memref<262144x128xf32, #tpu.memory_space<hbm>> -> memref<256x128xf32, #tpu.memory_space<hbm>>
    %dma_wait3A_235 = arith.constant 0 : i32
    %dma_wait3A_236 = tpu.memref_slice %arg3[%add3A_232, %dma_wait3A_235] : memref<262144x128xf32, #tpu.memory_space<hbm>> -> memref<256x128xf32, #tpu.memory_space<hbm>>
    tpu.wait_dma2 semaphore(%arg8 : memref<!tpu.dma_semaphore, #tpu.memory_space<semaphore_mem>>) src(%arg4 : memref<256x128xf32, #tpu.memory_space<vmem>>) dst(%dma_wait3A_236 : memref<256x128xf32, #tpu.memory_space<hbm>>)
    %add3A_237 = arith.constant 2560 : i32
    %add3A_238 = arith.addi %add3A_4, %add3A_237 : i32
    %dma_start3A_239 = arith.constant 0 : i32
    %dma_start3A_240 = tpu.memref_slice %arg2[%add3A_238, %dma_start3A_239] : memref<262144x128xf32, #tpu.memory_space<hbm>> -> memref<256x128xf32, #tpu.memory_space<hbm>>
    %dma_start3A_241 = arith.constant 0 : i32
    %dma_start3A_242 = tpu.memref_slice %arg2[%add3A_238, %dma_start3A_241] : memref<262144x128xf32, #tpu.memory_space<hbm>> -> memref<256x128xf32, #tpu.memory_space<hbm>>
    tpu.enqueue_dma source(%dma_start3A_242 : memref<256x128xf32, #tpu.memory_space<hbm>>) target(%arg4 : memref<256x128xf32, #tpu.memory_space<vmem>>) target_semaphore(%arg6 : memref<!tpu.dma_semaphore, #tpu.memory_space<semaphore_mem>>)
    %add3A_243 = arith.constant 2560 : i32
    %add3A_244 = arith.addi %add3A_4, %add3A_243 : i32
    %dma_wait3A_245 = arith.constant 0 : i32
    %dma_wait3A_246 = tpu.memref_slice %arg2[%add3A_244, %dma_wait3A_245] : memref<262144x128xf32, #tpu.memory_space<hbm>> -> memref<256x128xf32, #tpu.memory_space<hbm>>
    %dma_wait3A_247 = arith.constant 0 : i32
    %dma_wait3A_248 = tpu.memref_slice %arg2[%add3A_244, %dma_wait3A_247] : memref<262144x128xf32, #tpu.memory_space<hbm>> -> memref<256x128xf32, #tpu.memory_space<hbm>>
    tpu.wait_dma2 semaphore(%arg6 : memref<!tpu.dma_semaphore, #tpu.memory_space<semaphore_mem>>) src(%dma_wait3A_248 : memref<256x128xf32, #tpu.memory_space<hbm>>) dst(%arg4 : memref<256x128xf32, #tpu.memory_space<vmem>>)
    %add3A_249 = arith.constant 2560 : i32
    %add3A_250 = arith.addi %add3A_4, %add3A_249 : i32
    %dma_start3A_251 = arith.constant 0 : i32
    %dma_start3A_252 = tpu.memref_slice %arg3[%add3A_250, %dma_start3A_251] : memref<262144x128xf32, #tpu.memory_space<hbm>> -> memref<256x128xf32, #tpu.memory_space<hbm>>
    %dma_start3A_253 = arith.constant 0 : i32
    %dma_start3A_254 = tpu.memref_slice %arg3[%add3A_250, %dma_start3A_253] : memref<262144x128xf32, #tpu.memory_space<hbm>> -> memref<256x128xf32, #tpu.memory_space<hbm>>
    tpu.enqueue_dma source(%arg4 : memref<256x128xf32, #tpu.memory_space<vmem>>) target(%dma_start3A_254 : memref<256x128xf32, #tpu.memory_space<hbm>>) target_semaphore(%arg8 : memref<!tpu.dma_semaphore, #tpu.memory_space<semaphore_mem>>)
    %add3A_255 = arith.constant 2304 : i32
    %add3A_256 = arith.addi %add3A_4, %add3A_255 : i32
    %dma_wait3A_257 = arith.constant 0 : i32
    %dma_wait3A_258 = tpu.memref_slice %arg3[%add3A_256, %dma_wait3A_257] : memref<262144x128xf32, #tpu.memory_space<hbm>> -> memref<256x128xf32, #tpu.memory_space<hbm>>
    %dma_wait3A_259 = arith.constant 0 : i32
    %dma_wait3A_260 = tpu.memref_slice %arg3[%add3A_256, %dma_wait3A_259] : memref<262144x128xf32, #tpu.memory_space<hbm>> -> memref<256x128xf32, #tpu.memory_space<hbm>>
    tpu.wait_dma2 semaphore(%arg9 : memref<!tpu.dma_semaphore, #tpu.memory_space<semaphore_mem>>) src(%arg5 : memref<256x128xf32, #tpu.memory_space<vmem>>) dst(%dma_wait3A_260 : memref<256x128xf32, #tpu.memory_space<hbm>>)
    %add3A_261 = arith.constant 2816 : i32
    %add3A_262 = arith.addi %add3A_4, %add3A_261 : i32
    %dma_start3A_263 = arith.constant 0 : i32
    %dma_start3A_264 = tpu.memref_slice %arg2[%add3A_262, %dma_start3A_263] : memref<262144x128xf32, #tpu.memory_space<hbm>> -> memref<256x128xf32, #tpu.memory_space<hbm>>
    %dma_start3A_265 = arith.constant 0 : i32
    %dma_start3A_266 = tpu.memref_slice %arg2[%add3A_262, %dma_start3A_265] : memref<262144x128xf32, #tpu.memory_space<hbm>> -> memref<256x128xf32, #tpu.memory_space<hbm>>
    tpu.enqueue_dma source(%dma_start3A_266 : memref<256x128xf32, #tpu.memory_space<hbm>>) target(%arg5 : memref<256x128xf32, #tpu.memory_space<vmem>>) target_semaphore(%arg7 : memref<!tpu.dma_semaphore, #tpu.memory_space<semaphore_mem>>)
    %add3A_267 = arith.constant 2816 : i32
    %add3A_268 = arith.addi %add3A_4, %add3A_267 : i32
    %dma_wait3A_269 = arith.constant 0 : i32
    %dma_wait3A_270 = tpu.memref_slice %arg2[%add3A_268, %dma_wait3A_269] : memref<262144x128xf32, #tpu.memory_space<hbm>> -> memref<256x128xf32, #tpu.memory_space<hbm>>
    %dma_wait3A_271 = arith.constant 0 : i32
    %dma_wait3A_272 = tpu.memref_slice %arg2[%add3A_268, %dma_wait3A_271] : memref<262144x128xf32, #tpu.memory_space<hbm>> -> memref<256x128xf32, #tpu.memory_space<hbm>>
    tpu.wait_dma2 semaphore(%arg7 : memref<!tpu.dma_semaphore, #tpu.memory_space<semaphore_mem>>) src(%dma_wait3A_272 : memref<256x128xf32, #tpu.memory_space<hbm>>) dst(%arg5 : memref<256x128xf32, #tpu.memory_space<vmem>>)
    %add3A_273 = arith.constant 2816 : i32
    %add3A_274 = arith.addi %add3A_4, %add3A_273 : i32
    %dma_start3A_275 = arith.constant 0 : i32
    %dma_start3A_276 = tpu.memref_slice %arg3[%add3A_274, %dma_start3A_275] : memref<262144x128xf32, #tpu.memory_space<hbm>> -> memref<256x128xf32, #tpu.memory_space<hbm>>
    %dma_start3A_277 = arith.constant 0 : i32
    %dma_start3A_278 = tpu.memref_slice %arg3[%add3A_274, %dma_start3A_277] : memref<262144x128xf32, #tpu.memory_space<hbm>> -> memref<256x128xf32, #tpu.memory_space<hbm>>
    tpu.enqueue_dma source(%arg5 : memref<256x128xf32, #tpu.memory_space<vmem>>) target(%dma_start3A_278 : memref<256x128xf32, #tpu.memory_space<hbm>>) target_semaphore(%arg9 : memref<!tpu.dma_semaphore, #tpu.memory_space<semaphore_mem>>)
    %add3A_279 = arith.constant 2560 : i32
    %add3A_280 = arith.addi %add3A_4, %add3A_279 : i32
    %dma_wait3A_281 = arith.constant 0 : i32
    %dma_wait3A_282 = tpu.memref_slice %arg3[%add3A_280, %dma_wait3A_281] : memref<262144x128xf32, #tpu.memory_space<hbm>> -> memref<256x128xf32, #tpu.memory_space<hbm>>
    %dma_wait3A_283 = arith.constant 0 : i32
    %dma_wait3A_284 = tpu.memref_slice %arg3[%add3A_280, %dma_wait3A_283] : memref<262144x128xf32, #tpu.memory_space<hbm>> -> memref<256x128xf32, #tpu.memory_space<hbm>>
    tpu.wait_dma2 semaphore(%arg8 : memref<!tpu.dma_semaphore, #tpu.memory_space<semaphore_mem>>) src(%arg4 : memref<256x128xf32, #tpu.memory_space<vmem>>) dst(%dma_wait3A_284 : memref<256x128xf32, #tpu.memory_space<hbm>>)
    %add3A_285 = arith.constant 3072 : i32
    %add3A_286 = arith.addi %add3A_4, %add3A_285 : i32
    %dma_start3A_287 = arith.constant 0 : i32
    %dma_start3A_288 = tpu.memref_slice %arg2[%add3A_286, %dma_start3A_287] : memref<262144x128xf32, #tpu.memory_space<hbm>> -> memref<256x128xf32, #tpu.memory_space<hbm>>
    %dma_start3A_289 = arith.constant 0 : i32
    %dma_start3A_290 = tpu.memref_slice %arg2[%add3A_286, %dma_start3A_289] : memref<262144x128xf32, #tpu.memory_space<hbm>> -> memref<256x128xf32, #tpu.memory_space<hbm>>
    tpu.enqueue_dma source(%dma_start3A_290 : memref<256x128xf32, #tpu.memory_space<hbm>>) target(%arg4 : memref<256x128xf32, #tpu.memory_space<vmem>>) target_semaphore(%arg6 : memref<!tpu.dma_semaphore, #tpu.memory_space<semaphore_mem>>)
    %add3A_291 = arith.constant 3072 : i32
    %add3A_292 = arith.addi %add3A_4, %add3A_291 : i32
    %dma_wait3A_293 = arith.constant 0 : i32
    %dma_wait3A_294 = tpu.memref_slice %arg2[%add3A_292, %dma_wait3A_293] : memref<262144x128xf32, #tpu.memory_space<hbm>> -> memref<256x128xf32, #tpu.memory_space<hbm>>
    %dma_wait3A_295 = arith.constant 0 : i32
    %dma_wait3A_296 = tpu.memref_slice %arg2[%add3A_292, %dma_wait3A_295] : memref<262144x128xf32, #tpu.memory_space<hbm>> -> memref<256x128xf32, #tpu.memory_space<hbm>>
    tpu.wait_dma2 semaphore(%arg6 : memref<!tpu.dma_semaphore, #tpu.memory_space<semaphore_mem>>) src(%dma_wait3A_296 : memref<256x128xf32, #tpu.memory_space<hbm>>) dst(%arg4 : memref<256x128xf32, #tpu.memory_space<vmem>>)
    %add3A_297 = arith.constant 3072 : i32
    %add3A_298 = arith.addi %add3A_4, %add3A_297 : i32
    %dma_start3A_299 = arith.constant 0 : i32
    %dma_start3A_300 = tpu.memref_slice %arg3[%add3A_298, %dma_start3A_299] : memref<262144x128xf32, #tpu.memory_space<hbm>> -> memref<256x128xf32, #tpu.memory_space<hbm>>
    %dma_start3A_301 = arith.constant 0 : i32
    %dma_start3A_302 = tpu.memref_slice %arg3[%add3A_298, %dma_start3A_301] : memref<262144x128xf32, #tpu.memory_space<hbm>> -> memref<256x128xf32, #tpu.memory_space<hbm>>
    tpu.enqueue_dma source(%arg4 : memref<256x128xf32, #tpu.memory_space<vmem>>) target(%dma_start3A_302 : memref<256x128xf32, #tpu.memory_space<hbm>>) target_semaphore(%arg8 : memref<!tpu.dma_semaphore, #tpu.memory_space<semaphore_mem>>)
    %add3A_303 = arith.constant 2816 : i32
    %add3A_304 = arith.addi %add3A_4, %add3A_303 : i32
    %dma_wait3A_305 = arith.constant 0 : i32
    %dma_wait3A_306 = tpu.memref_slice %arg3[%add3A_304, %dma_wait3A_305] : memref<262144x128xf32, #tpu.memory_space<hbm>> -> memref<256x128xf32, #tpu.memory_space<hbm>>
    %dma_wait3A_307 = arith.constant 0 : i32
    %dma_wait3A_308 = tpu.memref_slice %arg3[%add3A_304, %dma_wait3A_307] : memref<262144x128xf32, #tpu.memory_space<hbm>> -> memref<256x128xf32, #tpu.memory_space<hbm>>
    tpu.wait_dma2 semaphore(%arg9 : memref<!tpu.dma_semaphore, #tpu.memory_space<semaphore_mem>>) src(%arg5 : memref<256x128xf32, #tpu.memory_space<vmem>>) dst(%dma_wait3A_308 : memref<256x128xf32, #tpu.memory_space<hbm>>)
    %add3A_309 = arith.constant 3328 : i32
    %add3A_310 = arith.addi %add3A_4, %add3A_309 : i32
    %dma_start3A_311 = arith.constant 0 : i32
    %dma_start3A_312 = tpu.memref_slice %arg2[%add3A_310, %dma_start3A_311] : memref<262144x128xf32, #tpu.memory_space<hbm>> -> memref<256x128xf32, #tpu.memory_space<hbm>>
    %dma_start3A_313 = arith.constant 0 : i32
    %dma_start3A_314 = tpu.memref_slice %arg2[%add3A_310, %dma_start3A_313] : memref<262144x128xf32, #tpu.memory_space<hbm>> -> memref<256x128xf32, #tpu.memory_space<hbm>>
    tpu.enqueue_dma source(%dma_start3A_314 : memref<256x128xf32, #tpu.memory_space<hbm>>) target(%arg5 : memref<256x128xf32, #tpu.memory_space<vmem>>) target_semaphore(%arg7 : memref<!tpu.dma_semaphore, #tpu.memory_space<semaphore_mem>>)
    %add3A_315 = arith.constant 3328 : i32
    %add3A_316 = arith.addi %add3A_4, %add3A_315 : i32
    %dma_wait3A_317 = arith.constant 0 : i32
    %dma_wait3A_318 = tpu.memref_slice %arg2[%add3A_316, %dma_wait3A_317] : memref<262144x128xf32, #tpu.memory_space<hbm>> -> memref<256x128xf32, #tpu.memory_space<hbm>>
    %dma_wait3A_319 = arith.constant 0 : i32
    %dma_wait3A_320 = tpu.memref_slice %arg2[%add3A_316, %dma_wait3A_319] : memref<262144x128xf32, #tpu.memory_space<hbm>> -> memref<256x128xf32, #tpu.memory_space<hbm>>
    tpu.wait_dma2 semaphore(%arg7 : memref<!tpu.dma_semaphore, #tpu.memory_space<semaphore_mem>>) src(%dma_wait3A_320 : memref<256x128xf32, #tpu.memory_space<hbm>>) dst(%arg5 : memref<256x128xf32, #tpu.memory_space<vmem>>)
    %add3A_321 = arith.constant 3328 : i32
    %add3A_322 = arith.addi %add3A_4, %add3A_321 : i32
    %dma_start3A_323 = arith.constant 0 : i32
    %dma_start3A_324 = tpu.memref_slice %arg3[%add3A_322, %dma_start3A_323] : memref<262144x128xf32, #tpu.memory_space<hbm>> -> memref<256x128xf32, #tpu.memory_space<hbm>>
    %dma_start3A_325 = arith.constant 0 : i32
    %dma_start3A_326 = tpu.memref_slice %arg3[%add3A_322, %dma_start3A_325] : memref<262144x128xf32, #tpu.memory_space<hbm>> -> memref<256x128xf32, #tpu.memory_space<hbm>>
    tpu.enqueue_dma source(%arg5 : memref<256x128xf32, #tpu.memory_space<vmem>>) target(%dma_start3A_326 : memref<256x128xf32, #tpu.memory_space<hbm>>) target_semaphore(%arg9 : memref<!tpu.dma_semaphore, #tpu.memory_space<semaphore_mem>>)
    %add3A_327 = arith.constant 3072 : i32
    %add3A_328 = arith.addi %add3A_4, %add3A_327 : i32
    %dma_wait3A_329 = arith.constant 0 : i32
    %dma_wait3A_330 = tpu.memref_slice %arg3[%add3A_328, %dma_wait3A_329] : memref<262144x128xf32, #tpu.memory_space<hbm>> -> memref<256x128xf32, #tpu.memory_space<hbm>>
    %dma_wait3A_331 = arith.constant 0 : i32
    %dma_wait3A_332 = tpu.memref_slice %arg3[%add3A_328, %dma_wait3A_331] : memref<262144x128xf32, #tpu.memory_space<hbm>> -> memref<256x128xf32, #tpu.memory_space<hbm>>
    tpu.wait_dma2 semaphore(%arg8 : memref<!tpu.dma_semaphore, #tpu.memory_space<semaphore_mem>>) src(%arg4 : memref<256x128xf32, #tpu.memory_space<vmem>>) dst(%dma_wait3A_332 : memref<256x128xf32, #tpu.memory_space<hbm>>)
    %add3A_333 = arith.constant 3584 : i32
    %add3A_334 = arith.addi %add3A_4, %add3A_333 : i32
    %dma_start3A_335 = arith.constant 0 : i32
    %dma_start3A_336 = tpu.memref_slice %arg2[%add3A_334, %dma_start3A_335] : memref<262144x128xf32, #tpu.memory_space<hbm>> -> memref<256x128xf32, #tpu.memory_space<hbm>>
    %dma_start3A_337 = arith.constant 0 : i32
    %dma_start3A_338 = tpu.memref_slice %arg2[%add3A_334, %dma_start3A_337] : memref<262144x128xf32, #tpu.memory_space<hbm>> -> memref<256x128xf32, #tpu.memory_space<hbm>>
    tpu.enqueue_dma source(%dma_start3A_338 : memref<256x128xf32, #tpu.memory_space<hbm>>) target(%arg4 : memref<256x128xf32, #tpu.memory_space<vmem>>) target_semaphore(%arg6 : memref<!tpu.dma_semaphore, #tpu.memory_space<semaphore_mem>>)
    %add3A_339 = arith.constant 3584 : i32
    %add3A_340 = arith.addi %add3A_4, %add3A_339 : i32
    %dma_wait3A_341 = arith.constant 0 : i32
    %dma_wait3A_342 = tpu.memref_slice %arg2[%add3A_340, %dma_wait3A_341] : memref<262144x128xf32, #tpu.memory_space<hbm>> -> memref<256x128xf32, #tpu.memory_space<hbm>>
    %dma_wait3A_343 = arith.constant 0 : i32
    %dma_wait3A_344 = tpu.memref_slice %arg2[%add3A_340, %dma_wait3A_343] : memref<262144x128xf32, #tpu.memory_space<hbm>> -> memref<256x128xf32, #tpu.memory_space<hbm>>
    tpu.wait_dma2 semaphore(%arg6 : memref<!tpu.dma_semaphore, #tpu.memory_space<semaphore_mem>>) src(%dma_wait3A_344 : memref<256x128xf32, #tpu.memory_space<hbm>>) dst(%arg4 : memref<256x128xf32, #tpu.memory_space<vmem>>)
    %add3A_345 = arith.constant 3584 : i32
    %add3A_346 = arith.addi %add3A_4, %add3A_345 : i32
    %dma_start3A_347 = arith.constant 0 : i32
    %dma_start3A_348 = tpu.memref_slice %arg3[%add3A_346, %dma_start3A_347] : memref<262144x128xf32, #tpu.memory_space<hbm>> -> memref<256x128xf32, #tpu.memory_space<hbm>>
    %dma_start3A_349 = arith.constant 0 : i32
    %dma_start3A_350 = tpu.memref_slice %arg3[%add3A_346, %dma_start3A_349] : memref<262144x128xf32, #tpu.memory_space<hbm>> -> memref<256x128xf32, #tpu.memory_space<hbm>>
    tpu.enqueue_dma source(%arg4 : memref<256x128xf32, #tpu.memory_space<vmem>>) target(%dma_start3A_350 : memref<256x128xf32, #tpu.memory_space<hbm>>) target_semaphore(%arg8 : memref<!tpu.dma_semaphore, #tpu.memory_space<semaphore_mem>>)
    %add3A_351 = arith.constant 3328 : i32
    %add3A_352 = arith.addi %add3A_4, %add3A_351 : i32
    %dma_wait3A_353 = arith.constant 0 : i32
    %dma_wait3A_354 = tpu.memref_slice %arg3[%add3A_352, %dma_wait3A_353] : memref<262144x128xf32, #tpu.memory_space<hbm>> -> memref<256x128xf32, #tpu.memory_space<hbm>>
    %dma_wait3A_355 = arith.constant 0 : i32
    %dma_wait3A_356 = tpu.memref_slice %arg3[%add3A_352, %dma_wait3A_355] : memref<262144x128xf32, #tpu.memory_space<hbm>> -> memref<256x128xf32, #tpu.memory_space<hbm>>
    tpu.wait_dma2 semaphore(%arg9 : memref<!tpu.dma_semaphore, #tpu.memory_space<semaphore_mem>>) src(%arg5 : memref<256x128xf32, #tpu.memory_space<vmem>>) dst(%dma_wait3A_356 : memref<256x128xf32, #tpu.memory_space<hbm>>)
    %add3A_357 = arith.constant 3840 : i32
    %add3A_358 = arith.addi %add3A_4, %add3A_357 : i32
    %dma_start3A_359 = arith.constant 0 : i32
    %dma_start3A_360 = tpu.memref_slice %arg2[%add3A_358, %dma_start3A_359] : memref<262144x128xf32, #tpu.memory_space<hbm>> -> memref<256x128xf32, #tpu.memory_space<hbm>>
    %dma_start3A_361 = arith.constant 0 : i32
    %dma_start3A_362 = tpu.memref_slice %arg2[%add3A_358, %dma_start3A_361] : memref<262144x128xf32, #tpu.memory_space<hbm>> -> memref<256x128xf32, #tpu.memory_space<hbm>>
    tpu.enqueue_dma source(%dma_start3A_362 : memref<256x128xf32, #tpu.memory_space<hbm>>) target(%arg5 : memref<256x128xf32, #tpu.memory_space<vmem>>) target_semaphore(%arg7 : memref<!tpu.dma_semaphore, #tpu.memory_space<semaphore_mem>>)
    %add3A_363 = arith.constant 3840 : i32
    %add3A_364 = arith.addi %add3A_4, %add3A_363 : i32
    %dma_wait3A_365 = arith.constant 0 : i32
    %dma_wait3A_366 = tpu.memref_slice %arg2[%add3A_364, %dma_wait3A_365] : memref<262144x128xf32, #tpu.memory_space<hbm>> -> memref<256x128xf32, #tpu.memory_space<hbm>>
    %dma_wait3A_367 = arith.constant 0 : i32
    %dma_wait3A_368 = tpu.memref_slice %arg2[%add3A_364, %dma_wait3A_367] : memref<262144x128xf32, #tpu.memory_space<hbm>> -> memref<256x128xf32, #tpu.memory_space<hbm>>
    tpu.wait_dma2 semaphore(%arg7 : memref<!tpu.dma_semaphore, #tpu.memory_space<semaphore_mem>>) src(%dma_wait3A_368 : memref<256x128xf32, #tpu.memory_space<hbm>>) dst(%arg5 : memref<256x128xf32, #tpu.memory_space<vmem>>)
    %add3A_369 = arith.constant 3840 : i32
    %add3A_370 = arith.addi %add3A_4, %add3A_369 : i32
    %dma_start3A_371 = arith.constant 0 : i32
    %dma_start3A_372 = tpu.memref_slice %arg3[%add3A_370, %dma_start3A_371] : memref<262144x128xf32, #tpu.memory_space<hbm>> -> memref<256x128xf32, #tpu.memory_space<hbm>>
    %dma_start3A_373 = arith.constant 0 : i32
    %dma_start3A_374 = tpu.memref_slice %arg3[%add3A_370, %dma_start3A_373] : memref<262144x128xf32, #tpu.memory_space<hbm>> -> memref<256x128xf32, #tpu.memory_space<hbm>>
    tpu.enqueue_dma source(%arg5 : memref<256x128xf32, #tpu.memory_space<vmem>>) target(%dma_start3A_374 : memref<256x128xf32, #tpu.memory_space<hbm>>) target_semaphore(%arg9 : memref<!tpu.dma_semaphore, #tpu.memory_space<semaphore_mem>>)
    %add3A_375 = arith.constant 3584 : i32
    %add3A_376 = arith.addi %add3A_4, %add3A_375 : i32
    %dma_wait3A_377 = arith.constant 0 : i32
    %dma_wait3A_378 = tpu.memref_slice %arg3[%add3A_376, %dma_wait3A_377] : memref<262144x128xf32, #tpu.memory_space<hbm>> -> memref<256x128xf32, #tpu.memory_space<hbm>>
    %dma_wait3A_379 = arith.constant 0 : i32
    %dma_wait3A_380 = tpu.memref_slice %arg3[%add3A_376, %dma_wait3A_379] : memref<262144x128xf32, #tpu.memory_space<hbm>> -> memref<256x128xf32, #tpu.memory_space<hbm>>
    tpu.wait_dma2 semaphore(%arg8 : memref<!tpu.dma_semaphore, #tpu.memory_space<semaphore_mem>>) src(%arg4 : memref<256x128xf32, #tpu.memory_space<vmem>>) dst(%dma_wait3A_380 : memref<256x128xf32, #tpu.memory_space<hbm>>)
    %add3A_381 = arith.constant 4096 : i32
    %add3A_382 = arith.addi %add3A_4, %add3A_381 : i32
    %dma_start3A_383 = arith.constant 0 : i32
    %dma_start3A_384 = tpu.memref_slice %arg2[%add3A_382, %dma_start3A_383] : memref<262144x128xf32, #tpu.memory_space<hbm>> -> memref<256x128xf32, #tpu.memory_space<hbm>>
    %dma_start3A_385 = arith.constant 0 : i32
    %dma_start3A_386 = tpu.memref_slice %arg2[%add3A_382, %dma_start3A_385] : memref<262144x128xf32, #tpu.memory_space<hbm>> -> memref<256x128xf32, #tpu.memory_space<hbm>>
    tpu.enqueue_dma source(%dma_start3A_386 : memref<256x128xf32, #tpu.memory_space<hbm>>) target(%arg4 : memref<256x128xf32, #tpu.memory_space<vmem>>) target_semaphore(%arg6 : memref<!tpu.dma_semaphore, #tpu.memory_space<semaphore_mem>>)
    %add3A_387 = arith.constant 4096 : i32
    %add3A_388 = arith.addi %add3A_4, %add3A_387 : i32
    %dma_wait3A_389 = arith.constant 0 : i32
    %dma_wait3A_390 = tpu.memref_slice %arg2[%add3A_388, %dma_wait3A_389] : memref<262144x128xf32, #tpu.memory_space<hbm>> -> memref<256x128xf32, #tpu.memory_space<hbm>>
    %dma_wait3A_391 = arith.constant 0 : i32
    %dma_wait3A_392 = tpu.memref_slice %arg2[%add3A_388, %dma_wait3A_391] : memref<262144x128xf32, #tpu.memory_space<hbm>> -> memref<256x128xf32, #tpu.memory_space<hbm>>
    tpu.wait_dma2 semaphore(%arg6 : memref<!tpu.dma_semaphore, #tpu.memory_space<semaphore_mem>>) src(%dma_wait3A_392 : memref<256x128xf32, #tpu.memory_space<hbm>>) dst(%arg4 : memref<256x128xf32, #tpu.memory_space<vmem>>)
    %add3A_393 = arith.constant 4096 : i32
    %add3A_394 = arith.addi %add3A_4, %add3A_393 : i32
    %dma_start3A_395 = arith.constant 0 : i32
    %dma_start3A_396 = tpu.memref_slice %arg3[%add3A_394, %dma_start3A_395] : memref<262144x128xf32, #tpu.memory_space<hbm>> -> memref<256x128xf32, #tpu.memory_space<hbm>>
    %dma_start3A_397 = arith.constant 0 : i32
    %dma_start3A_398 = tpu.memref_slice %arg3[%add3A_394, %dma_start3A_397] : memref<262144x128xf32, #tpu.memory_space<hbm>> -> memref<256x128xf32, #tpu.memory_space<hbm>>
    tpu.enqueue_dma source(%arg4 : memref<256x128xf32, #tpu.memory_space<vmem>>) target(%dma_start3A_398 : memref<256x128xf32, #tpu.memory_space<hbm>>) target_semaphore(%arg8 : memref<!tpu.dma_semaphore, #tpu.memory_space<semaphore_mem>>)
    %add3A_399 = arith.constant 3840 : i32
    %add3A_400 = arith.addi %add3A_4, %add3A_399 : i32
    %dma_wait3A_401 = arith.constant 0 : i32
    %dma_wait3A_402 = tpu.memref_slice %arg3[%add3A_400, %dma_wait3A_401] : memref<262144x128xf32, #tpu.memory_space<hbm>> -> memref<256x128xf32, #tpu.memory_space<hbm>>
    %dma_wait3A_403 = arith.constant 0 : i32
    %dma_wait3A_404 = tpu.memref_slice %arg3[%add3A_400, %dma_wait3A_403] : memref<262144x128xf32, #tpu.memory_space<hbm>> -> memref<256x128xf32, #tpu.memory_space<hbm>>
    tpu.wait_dma2 semaphore(%arg9 : memref<!tpu.dma_semaphore, #tpu.memory_space<semaphore_mem>>) src(%arg5 : memref<256x128xf32, #tpu.memory_space<vmem>>) dst(%dma_wait3A_404 : memref<256x128xf32, #tpu.memory_space<hbm>>)
    %add3A_405 = arith.constant 4352 : i32
    %add3A_406 = arith.addi %add3A_4, %add3A_405 : i32
    %dma_start3A_407 = arith.constant 0 : i32
    %dma_start3A_408 = tpu.memref_slice %arg2[%add3A_406, %dma_start3A_407] : memref<262144x128xf32, #tpu.memory_space<hbm>> -> memref<256x128xf32, #tpu.memory_space<hbm>>
    %dma_start3A_409 = arith.constant 0 : i32
    %dma_start3A_410 = tpu.memref_slice %arg2[%add3A_406, %dma_start3A_409] : memref<262144x128xf32, #tpu.memory_space<hbm>> -> memref<256x128xf32, #tpu.memory_space<hbm>>
    tpu.enqueue_dma source(%dma_start3A_410 : memref<256x128xf32, #tpu.memory_space<hbm>>) target(%arg5 : memref<256x128xf32, #tpu.memory_space<vmem>>) target_semaphore(%arg7 : memref<!tpu.dma_semaphore, #tpu.memory_space<semaphore_mem>>)
    %add3A_411 = arith.constant 4352 : i32
    %add3A_412 = arith.addi %add3A_4, %add3A_411 : i32
    %dma_wait3A_413 = arith.constant 0 : i32
    %dma_wait3A_414 = tpu.memref_slice %arg2[%add3A_412, %dma_wait3A_413] : memref<262144x128xf32, #tpu.memory_space<hbm>> -> memref<256x128xf32, #tpu.memory_space<hbm>>
    %dma_wait3A_415 = arith.constant 0 : i32
    %dma_wait3A_416 = tpu.memref_slice %arg2[%add3A_412, %dma_wait3A_415] : memref<262144x128xf32, #tpu.memory_space<hbm>> -> memref<256x128xf32, #tpu.memory_space<hbm>>
    tpu.wait_dma2 semaphore(%arg7 : memref<!tpu.dma_semaphore, #tpu.memory_space<semaphore_mem>>) src(%dma_wait3A_416 : memref<256x128xf32, #tpu.memory_space<hbm>>) dst(%arg5 : memref<256x128xf32, #tpu.memory_space<vmem>>)
    %add3A_417 = arith.constant 4352 : i32
    %add3A_418 = arith.addi %add3A_4, %add3A_417 : i32
    %dma_start3A_419 = arith.constant 0 : i32
    %dma_start3A_420 = tpu.memref_slice %arg3[%add3A_418, %dma_start3A_419] : memref<262144x128xf32, #tpu.memory_space<hbm>> -> memref<256x128xf32, #tpu.memory_space<hbm>>
    %dma_start3A_421 = arith.constant 0 : i32
    %dma_start3A_422 = tpu.memref_slice %arg3[%add3A_418, %dma_start3A_421] : memref<262144x128xf32, #tpu.memory_space<hbm>> -> memref<256x128xf32, #tpu.memory_space<hbm>>
    tpu.enqueue_dma source(%arg5 : memref<256x128xf32, #tpu.memory_space<vmem>>) target(%dma_start3A_422 : memref<256x128xf32, #tpu.memory_space<hbm>>) target_semaphore(%arg9 : memref<!tpu.dma_semaphore, #tpu.memory_space<semaphore_mem>>)
    %add3A_423 = arith.constant 4096 : i32
    %add3A_424 = arith.addi %add3A_4, %add3A_423 : i32
    %dma_wait3A_425 = arith.constant 0 : i32
    %dma_wait3A_426 = tpu.memref_slice %arg3[%add3A_424, %dma_wait3A_425] : memref<262144x128xf32, #tpu.memory_space<hbm>> -> memref<256x128xf32, #tpu.memory_space<hbm>>
    %dma_wait3A_427 = arith.constant 0 : i32
    %dma_wait3A_428 = tpu.memref_slice %arg3[%add3A_424, %dma_wait3A_427] : memref<262144x128xf32, #tpu.memory_space<hbm>> -> memref<256x128xf32, #tpu.memory_space<hbm>>
    tpu.wait_dma2 semaphore(%arg8 : memref<!tpu.dma_semaphore, #tpu.memory_space<semaphore_mem>>) src(%arg4 : memref<256x128xf32, #tpu.memory_space<vmem>>) dst(%dma_wait3A_428 : memref<256x128xf32, #tpu.memory_space<hbm>>)
    %add3A_429 = arith.constant 4608 : i32
    %add3A_430 = arith.addi %add3A_4, %add3A_429 : i32
    %dma_start3A_431 = arith.constant 0 : i32
    %dma_start3A_432 = tpu.memref_slice %arg2[%add3A_430, %dma_start3A_431] : memref<262144x128xf32, #tpu.memory_space<hbm>> -> memref<256x128xf32, #tpu.memory_space<hbm>>
    %dma_start3A_433 = arith.constant 0 : i32
    %dma_start3A_434 = tpu.memref_slice %arg2[%add3A_430, %dma_start3A_433] : memref<262144x128xf32, #tpu.memory_space<hbm>> -> memref<256x128xf32, #tpu.memory_space<hbm>>
    tpu.enqueue_dma source(%dma_start3A_434 : memref<256x128xf32, #tpu.memory_space<hbm>>) target(%arg4 : memref<256x128xf32, #tpu.memory_space<vmem>>) target_semaphore(%arg6 : memref<!tpu.dma_semaphore, #tpu.memory_space<semaphore_mem>>)
    %add3A_435 = arith.constant 4608 : i32
    %add3A_436 = arith.addi %add3A_4, %add3A_435 : i32
    %dma_wait3A_437 = arith.constant 0 : i32
    %dma_wait3A_438 = tpu.memref_slice %arg2[%add3A_436, %dma_wait3A_437] : memref<262144x128xf32, #tpu.memory_space<hbm>> -> memref<256x128xf32, #tpu.memory_space<hbm>>
    %dma_wait3A_439 = arith.constant 0 : i32
    %dma_wait3A_440 = tpu.memref_slice %arg2[%add3A_436, %dma_wait3A_439] : memref<262144x128xf32, #tpu.memory_space<hbm>> -> memref<256x128xf32, #tpu.memory_space<hbm>>
    tpu.wait_dma2 semaphore(%arg6 : memref<!tpu.dma_semaphore, #tpu.memory_space<semaphore_mem>>) src(%dma_wait3A_440 : memref<256x128xf32, #tpu.memory_space<hbm>>) dst(%arg4 : memref<256x128xf32, #tpu.memory_space<vmem>>)
    %add3A_441 = arith.constant 4608 : i32
    %add3A_442 = arith.addi %add3A_4, %add3A_441 : i32
    %dma_start3A_443 = arith.constant 0 : i32
    %dma_start3A_444 = tpu.memref_slice %arg3[%add3A_442, %dma_start3A_443] : memref<262144x128xf32, #tpu.memory_space<hbm>> -> memref<256x128xf32, #tpu.memory_space<hbm>>
    %dma_start3A_445 = arith.constant 0 : i32
    %dma_start3A_446 = tpu.memref_slice %arg3[%add3A_442, %dma_start3A_445] : memref<262144x128xf32, #tpu.memory_space<hbm>> -> memref<256x128xf32, #tpu.memory_space<hbm>>
    tpu.enqueue_dma source(%arg4 : memref<256x128xf32, #tpu.memory_space<vmem>>) target(%dma_start3A_446 : memref<256x128xf32, #tpu.memory_space<hbm>>) target_semaphore(%arg8 : memref<!tpu.dma_semaphore, #tpu.memory_space<semaphore_mem>>)
    %add3A_447 = arith.constant 4352 : i32
    %add3A_448 = arith.addi %add3A_4, %add3A_447 : i32
    %dma_wait3A_449 = arith.constant 0 : i32
    %dma_wait3A_450 = tpu.memref_slice %arg3[%add3A_448, %dma_wait3A_449] : memref<262144x128xf32, #tpu.memory_space<hbm>> -> memref<256x128xf32, #tpu.memory_space<hbm>>
    %dma_wait3A_451 = arith.constant 0 : i32
    %dma_wait3A_452 = tpu.memref_slice %arg3[%add3A_448, %dma_wait3A_451] : memref<262144x128xf32, #tpu.memory_space<hbm>> -> memref<256x128xf32, #tpu.memory_space<hbm>>
    tpu.wait_dma2 semaphore(%arg9 : memref<!tpu.dma_semaphore, #tpu.memory_space<semaphore_mem>>) src(%arg5 : memref<256x128xf32, #tpu.memory_space<vmem>>) dst(%dma_wait3A_452 : memref<256x128xf32, #tpu.memory_space<hbm>>)
    %add3A_453 = arith.constant 4864 : i32
    %add3A_454 = arith.addi %add3A_4, %add3A_453 : i32
    %dma_start3A_455 = arith.constant 0 : i32
    %dma_start3A_456 = tpu.memref_slice %arg2[%add3A_454, %dma_start3A_455] : memref<262144x128xf32, #tpu.memory_space<hbm>> -> memref<256x128xf32, #tpu.memory_space<hbm>>
    %dma_start3A_457 = arith.constant 0 : i32
    %dma_start3A_458 = tpu.memref_slice %arg2[%add3A_454, %dma_start3A_457] : memref<262144x128xf32, #tpu.memory_space<hbm>> -> memref<256x128xf32, #tpu.memory_space<hbm>>
    tpu.enqueue_dma source(%dma_start3A_458 : memref<256x128xf32, #tpu.memory_space<hbm>>) target(%arg5 : memref<256x128xf32, #tpu.memory_space<vmem>>) target_semaphore(%arg7 : memref<!tpu.dma_semaphore, #tpu.memory_space<semaphore_mem>>)
    %add3A_459 = arith.constant 4864 : i32
    %add3A_460 = arith.addi %add3A_4, %add3A_459 : i32
    %dma_wait3A_461 = arith.constant 0 : i32
    %dma_wait3A_462 = tpu.memref_slice %arg2[%add3A_460, %dma_wait3A_461] : memref<262144x128xf32, #tpu.memory_space<hbm>> -> memref<256x128xf32, #tpu.memory_space<hbm>>
    %dma_wait3A_463 = arith.constant 0 : i32
    %dma_wait3A_464 = tpu.memref_slice %arg2[%add3A_460, %dma_wait3A_463] : memref<262144x128xf32, #tpu.memory_space<hbm>> -> memref<256x128xf32, #tpu.memory_space<hbm>>
    tpu.wait_dma2 semaphore(%arg7 : memref<!tpu.dma_semaphore, #tpu.memory_space<semaphore_mem>>) src(%dma_wait3A_464 : memref<256x128xf32, #tpu.memory_space<hbm>>) dst(%arg5 : memref<256x128xf32, #tpu.memory_space<vmem>>)
    %add3A_465 = arith.constant 4864 : i32
    %add3A_466 = arith.addi %add3A_4, %add3A_465 : i32
    %dma_start3A_467 = arith.constant 0 : i32
    %dma_start3A_468 = tpu.memref_slice %arg3[%add3A_466, %dma_start3A_467] : memref<262144x128xf32, #tpu.memory_space<hbm>> -> memref<256x128xf32, #tpu.memory_space<hbm>>
    %dma_start3A_469 = arith.constant 0 : i32
    %dma_start3A_470 = tpu.memref_slice %arg3[%add3A_466, %dma_start3A_469] : memref<262144x128xf32, #tpu.memory_space<hbm>> -> memref<256x128xf32, #tpu.memory_space<hbm>>
    tpu.enqueue_dma source(%arg5 : memref<256x128xf32, #tpu.memory_space<vmem>>) target(%dma_start3A_470 : memref<256x128xf32, #tpu.memory_space<hbm>>) target_semaphore(%arg9 : memref<!tpu.dma_semaphore, #tpu.memory_space<semaphore_mem>>)
    %add3A_471 = arith.constant 4608 : i32
    %add3A_472 = arith.addi %add3A_4, %add3A_471 : i32
    %dma_wait3A_473 = arith.constant 0 : i32
    %dma_wait3A_474 = tpu.memref_slice %arg3[%add3A_472, %dma_wait3A_473] : memref<262144x128xf32, #tpu.memory_space<hbm>> -> memref<256x128xf32, #tpu.memory_space<hbm>>
    %dma_wait3A_475 = arith.constant 0 : i32
    %dma_wait3A_476 = tpu.memref_slice %arg3[%add3A_472, %dma_wait3A_475] : memref<262144x128xf32, #tpu.memory_space<hbm>> -> memref<256x128xf32, #tpu.memory_space<hbm>>
    tpu.wait_dma2 semaphore(%arg8 : memref<!tpu.dma_semaphore, #tpu.memory_space<semaphore_mem>>) src(%arg4 : memref<256x128xf32, #tpu.memory_space<vmem>>) dst(%dma_wait3A_476 : memref<256x128xf32, #tpu.memory_space<hbm>>)
    %add3A_477 = arith.constant 4864 : i32
    %add3A_478 = arith.addi %add3A_4, %add3A_477 : i32
    %dma_wait3A_479 = arith.constant 0 : i32
    %dma_wait3A_480 = tpu.memref_slice %arg3[%add3A_478, %dma_wait3A_479] : memref<262144x128xf32, #tpu.memory_space<hbm>> -> memref<256x128xf32, #tpu.memory_space<hbm>>
    %dma_wait3A_481 = arith.constant 0 : i32
    %dma_wait3A_482 = tpu.memref_slice %arg3[%add3A_478, %dma_wait3A_481] : memref<262144x128xf32, #tpu.memory_space<hbm>> -> memref<256x128xf32, #tpu.memory_space<hbm>>
    tpu.wait_dma2 semaphore(%arg9 : memref<!tpu.dma_semaphore, #tpu.memory_space<semaphore_mem>>) src(%arg5 : memref<256x128xf32, #tpu.memory_space<vmem>>) dst(%dma_wait3A_482 : memref<256x128xf32, #tpu.memory_space<hbm>>)
    return
  }
}

module attributes {stable_mosaic.version = 14 : i64} {
  func.func @_tc_copy_body(%arg0: i32, %arg1: memref<1x8192x128xf32, #tpu.memory_space<vmem>>, %arg2: memref<1x8192x128xf32, #tpu.memory_space<vmem>>) attributes {dimension_semantics = [#tpu.dimension_semantics<parallel>], iteration_bounds = array<i64: 32>, scalar_prefetch = 0 : i64, scratch_operands = 0 : i64, tpu.core_type = #tpu.core_type<tc>, window_params = [{transform_indices = @transform_0, window_bounds = array<i64: 1, 8192, 128>}, {transform_indices = @transform_1, window_bounds = array<i64: 1, 8192, 128>}]} {
    %get3A = arith.constant 0 : index
    %get3A_0 = arith.constant 0 : index
    %get3A_1 = arith.constant 0 : index
    %get3A_2 = vector.load %arg1[%get3A, %get3A_0, %get3A_1] : memref<1x8192x128xf32, #tpu.memory_space<vmem>>, vector<1x8192x128xf32>
    %swap3A = arith.constant 0 : index
    %swap3A_3 = arith.constant 0 : index
    %swap3A_4 = arith.constant 0 : index
    %swap3A_5 = vector.load %arg2[%swap3A, %swap3A_3, %swap3A_4] : memref<1x8192x128xf32, #tpu.memory_space<vmem>>, vector<1x8192x128xf32>
    tpu.vector_store %arg2[%swap3A, %swap3A_3, %swap3A_4], %get3A_2 {strides = array<i32>} : memref<1x8192x128xf32, #tpu.memory_space<vmem>>, vector<1x8192x128xf32>,
    return
  }
  func.func @transform_0(%arg0: i32) -> (i32, i32, i32) {
    %c0_i32 = arith.constant 0 : i32
    %c0_i32_0 = arith.constant 0 : i32
    %c0_i32_1 = arith.constant 0 : i32
    return %arg0, %c0_i32, %c0_i32_0 : i32, i32, i32
  }
  func.func @transform_1(%arg0: i32) -> (i32, i32, i32) {
    %c0_i32 = arith.constant 0 : i32
    %c0_i32_0 = arith.constant 0 : i32
    %c0_i32_1 = arith.constant 0 : i32
    return %arg0, %c0_i32, %c0_i32_0 : i32, i32, i32
  }
}

module attributes {stable_mosaic.version = 14 : i64} {
  func.func @_v_head_body(%arg0: i32, %arg1: memref<8192x128xf32, #tpu.memory_space<vmem>>, %arg2: memref<262144x128xf32, #tpu.memory_space<any>>, %arg3: memref<8192x128xf32, #tpu.memory_space<vmem>>) attributes {dimension_semantics = [#tpu.dimension_semantics<arbitrary>], iteration_bounds = array<i64: 12>, scalar_prefetch = 0 : i64, scratch_operands = 0 : i64, tpu.core_type = #tpu.core_type<tc>, window_params = [{transform_indices = @transform_0, window_bounds = array<i64: 8192, 128>}, {}, {transform_indices = @transform_2, window_bounds = array<i64: 8192, 128>}]} {
    %get3A = arith.constant 0 : index
    %get3A_0 = arith.constant 0 : index
    %get3A_1 = vector.load %arg1[%get3A, %get3A_0] : memref<8192x128xf32, #tpu.memory_space<vmem>>, vector<8192x128xf32>
    %swap3A = arith.constant 0 : index
    %swap3A_2 = arith.constant 0 : index
    %swap3A_3 = vector.load %arg3[%swap3A, %swap3A_2] : memref<8192x128xf32, #tpu.memory_space<vmem>>, vector<8192x128xf32>
    tpu.vector_store %arg3[%swap3A, %swap3A_2], %get3A_1 {strides = array<i32>} : memref<8192x128xf32, #tpu.memory_space<vmem>>, vector<8192x128xf32>,
    return
  }
  func.func @transform_0(%arg0: i32) -> (i32, i32) {
    %c0_i32 = arith.constant 0 : i32
    %c0_i32_0 = arith.constant 0 : i32
    return %arg0, %c0_i32 : i32, i32
  }
  func.func @transform_2(%arg0: i32) -> (i32, i32) {
    %c0_i32 = arith.constant 0 : i32
    %c0_i32_0 = arith.constant 0 : i32
    return %arg0, %c0_i32 : i32, i32
  }
}

</mosaic_0001>

<sc_bundles>
// kernel: kernel.5.cloned.1.call-start
scs
__scs_entry_jumppad:
0x0: {  	(pc) =	sbr.rel $0x88, $3  }
0x1: {  	(tag) =	ssettag $0x0;
	lr =	simm.s32 $0x1  }
0x2: {  	[smem:$0x3F9F] =	sst lr;
	_ =	strace $0xD0000000  }
0x3: {  	_ = 	snop  }
0x4: {  	_ = 	snop  }
0x5: {  	_ = 	snop  }
0x6: {  	_ = 	snop  }
0x7: {  	_ = 	snop  }
__scs_overlays_trampoline_lowered:
0x8: {  	[smem:$0x3FAE] =	sst s0  }
0x9: {  	[smem:$0x3FAF] =	sst s1  }
0xa: {  	[smem:$0x3FB0] =	sst s2  }
0xb: {  	[smem:$0x3FB1] =	sst s3  }
0xc: {  	[smem:$0x3FB2] =	sst s4  }
0xd: {  	[smem:$0x3FB3] =	sst s5  }
0xe: {  	[smem:$0x3FB4] =	sst s6  }
0xf: {  	[smem:$0x3FB5] =	sst s7  }
0x10: {  	[smem:$0x3FB6] =	sst s8  }
0x11: {  	[smem:$0x3FB7] =	sst s9;
	s0 =	simm.s32 @!p0 $0x0  }
0x12: {  	s1 =	sld [smem:$0x3F9D];
	s0 =	simm.s32 @p0 $0x1  }
0x13: {  	[smem:$0x3FB8] =	sst s0;
	s0 =	simm.s32 @!p1 $0x0  }
0x14: {  	s2 =	sld [smem:$0x3F9C];
	s0 =	simm.s32 @p1 $0x1  }
0x15: {  	[smem:$0x3FB9] =	sst s0;
	s0 =	simm.s32 @!p2 $0x0  }
0x16: {  	s3 =	sld [smem:$0x3FDB];
	s0 =	simm.s32 @p2 $0x1  }
0x17: {  	s4 =	simm.s32 $0x1BF5;
	[smem:$0x3FBB] =	sst s0  }
0x18: {  	s0 =	sld [smem:$0x3F9E];
	_ =	swait.ge [sflag:s4], $0x0  }
0x19: {  	s7 =	sld [smem:$0x3F9F]  }
0x1a: {  	s8 =	sadd.s32 $0xFFFFE003, lr  }
0x1b: {  	s9 =	sadd.s32 $0xFFFFFEF7, lr;
	s5 =	simm.s32 $0xFFFFFFFF;
	p2 =	slt.u32 s8, $0xFFFFF086  }
0x1c: {  	p1 =	slt.u32 s9, $0xF7A;
	s5 =	simm.s32 @!p2 $0x0  }
0x1d: {  	s5 =	simm.s32 @p1 $0x1;
	p0 =	seq.s32 s7, s2  }
0x1e: {  	s7 =	smul.u32 @!p0 $0xF7A, s2;
	p2 =	seq.s32 @!p0 s5, $0x0  }
0x1f: {  	s9 =	smul.u32 $0xF7A, s1;
	s8 =	simm.s32 @!p0 $0x1BF5;
	p2 =	por !p2, p0  }
0x20: {  	[sflag:s8] =	ssyncset.s32 @!p0 $0xFFFFF086;
	s6 =	sadd.s32 @!p0 s3, s7;
	s7 =	simm.s32 @!p0 $0x108  }
0x21: {  	s3 =	sadd.s32 s3, s9;
	s6 =	sadd.s32 @!p0 $0x88, s6;
	s7 =	simm.s32 @p2 $0x1082  }
0x22: {  	[simem:s7], [sflag:s8] =	dma.local @!p0 [hbm:s6], $0xF7A  }
0x23: {  	s9 =	sor.u32 $0xD0000000, s2;
	s6 =	simm.s32 $0x108;
	_ =	swait.ge @!p0 [sflag:s8], $0x0  }
0x24: {  	s3 =	sadd.s32 $0x88, s3;
	s6 =	simm.s32 @!p1 $0x1082;
	[sflag:s4] =	ssyncset.s32 $0xFFFFF086  }
0x25: {  	[simem:s6], [sflag:s4] =	dma.local [hbm:s3], $0xF7A  }
0x26: {  	[smem:$0x3F9F] =	sst s1;
	(tag) =	ssettag s2;
	_ =	strace s9  }
0x27: {  	s1 =	sld [smem:$0x3FAF]  }
0x28: {  	s2 =	sld [smem:$0x3FB0]  }
0x29: {  	s4 =	sld [smem:$0x3FB2]  }
0x2a: {  	p0 =	seq.s32 s5, $0x0;
	s5 =	sld [smem:$0x3FB3]  }
0x2b: {  	s6 =	sld [smem:$0x3FB4]  }
0x2c: {  	s7 =	sld [smem:$0x3FB5]  }
0x2d: {  	s3 =	simm.s32 $0x108;
	s8 =	sld [smem:$0x3FB6]  }
0x2e: {  	s3 =	simm.s32 @!p0 $0x1082;
	s9 =	sld [smem:$0x3FB7]  }
0x2f: {  	lr =	sadd.s32 s0, s3;
	s0 =	sld [smem:$0x3FAE]  }
0x30: {  	s3 =	sld [smem:$0x3FB1]  }
0x31: {  	[smem:$0x3FBA] =	sst s10  }
0x32: {  	s10 =	sld [smem:$0x3FB8];
	_ =	sdelay $0x3  }
0x33: {  	p0 =	seq.s32 s10, $0x1;
	s10 =	sld [smem:$0x3FBA];
	_ =	sdelay $0x3  }
0x34: {  	[smem:$0x3FBA] =	sst s10  }
0x35: {  	s10 =	sld [smem:$0x3FB9];
	_ =	sdelay $0x3  }
0x36: {  	p1 =	seq.s32 s10, $0x1;
	s10 =	sld [smem:$0x3FBA];
	_ =	sdelay $0x3  }
0x37: {  	[smem:$0x3FBA] =	sst s10  }
0x38: {  	s10 =	sld [smem:$0x3FBB]  }
0x39: {  	_ = 	snop;
	(pc) =	sbr.ind lr, $3  }
0x3a: {  	_ = 	snop  }
0x3b: {  	_ = 	snop  }
0x3c: {  	p2 =	seq.s32 s10, $0x1;
	s10 =	sld [smem:$0x3FBA]  }
0x3d: {  	_ =	shalt  }
0x3e: {  	_ =	shalt  }
0x3f: {  	_ =	shalt  }
0x40: {  	_ =	shalt  }
0x41: {  	_ =	shalt  }
0x42: {  	_ =	shalt  }
0x43: {  	_ =	shalt  }
0x44: {  	_ =	shalt  }
0x45: {  	_ =	shalt  }
0x46: {  	_ =	shalt  }
0x47: {  	_ =	shalt  }
0x48: {  	_ =	shalt  }
0x49: {  	_ =	shalt  }
0x4a: {  	_ =	shalt  }
0x4b: {  	_ =	shalt  }
0x4c: {  	_ =	shalt  }
0x4d: {  	_ =	shalt  }
0x4e: {  	_ =	shalt  }
0x4f: {  	_ =	shalt  }
0x50: {  	_ =	shalt  }
0x51: {  	_ =	shalt  }
0x52: {  	_ =	shalt  }
0x53: {  	_ =	shalt  }
0x54: {  	_ =	shalt  }
0x55: {  	_ =	shalt  }
0x56: {  	_ =	shalt  }
0x57: {  	_ =	shalt  }
0x58: {  	_ =	shalt  }
0x59: {  	_ =	shalt  }
0x5a: {  	_ =	shalt  }
0x5b: {  	_ =	shalt  }
0x5c: {  	_ =	shalt  }
0x5d: {  	_ =	shalt  }
0x5e: {  	_ =	shalt  }
0x5f: {  	_ =	shalt  }
0x60: {  	_ =	shalt  }
0x61: {  	_ =	shalt  }
0x62: {  	_ =	shalt  }
0x63: {  	_ =	shalt  }
0x64: {  	_ =	shalt  }
0x65: {  	_ =	shalt  }
0x66: {  	_ =	shalt  }
0x67: {  	_ =	shalt  }
0x68: {  	_ =	shalt  }
0x69: {  	_ =	shalt  }
0x6a: {  	_ =	shalt  }
0x6b: {  	_ =	shalt  }
0x6c: {  	_ =	shalt  }
0x6d: {  	_ =	shalt  }
0x6e: {  	_ =	shalt  }
0x6f: {  	_ =	shalt  }
0x70: {  	_ =	shalt  }
0x71: {  	_ =	shalt  }
0x72: {  	_ =	shalt  }
0x73: {  	_ =	shalt  }
0x74: {  	_ =	shalt  }
0x75: {  	_ =	shalt  }
0x76: {  	_ =	shalt  }
0x77: {  	_ =	shalt  }
0x78: {  	_ =	shalt  }
0x79: {  	_ =	shalt  }
0x7a: {  	_ =	shalt  }
0x7b: {  	_ =	shalt  }
0x7c: {  	_ =	shalt  }
0x7d: {  	_ =	shalt  }
0x7e: {  	_ =	shalt  }
0x7f: {  	_ =	shalt  }
0x80: {  	_ =	shalt  }
0x81: {  	_ =	shalt  }
0x82: {  	_ =	shalt  }
0x83: {  	_ =	shalt  }
0x84: {  	_ =	shalt  }
0x85: {  	_ =	shalt  }
0x86: {  	_ =	shalt  }
0x87: {  	_ =	shalt  }
.Lfunc_end0:
.L_simem_size_0:
called_computation_lowered:
.L_overlay_start_0:
0x88: {  	s2 =	sld [smem:$0x3FD9]  }
0x89: {  	s3 =	sld [smem:$0x3FFE];
	_ =	sdelay $0x1  }
0x8a: {  	s1 =	srdreg.scid  }
0x8b: {  	s0 =	sand.u32 $0x1, s1  }
0x8c: {  	s15 =	sshll.u32 s0, $0xA;
	s2 =	sadd.s32 s3, s2  }
0x8d: {  	s2 =	sadd.s32 s2, s15  }
0x8e: {  	[smem:$0x3FC6] =	sst s2  }
0x8f: {  	_ = 	snop  }
0x90: {  	s2 =	sld [smem:$0x3FD0];
	_ =	sdelay $0x2  }
0x91: {  	s4 =	simm.s32 $0xA;
	s5 =	simm.s32 $0x10;
	s16 =	sld [smem:$0x3FC8]  }
0x92: {  	[smem:s5], [sflag:s4] =	dma.local [hbm:s2], $0x1  }
0x93: {  	_ =	swait.eq [sflag:s4], $0x1  }
0x94: {  	[sflag:s4] =	ssyncset.done $0x0  }
0x95: {  	[sflag:s4] =	ssyncadd.s32 $0xFFFFFFFF  }
0x96: {  	s17 =	sld [smem:$0x11];
	(tm) =	ssettm $0x1  }
0x97: {  	s18 =	sld [smem:$0x3FFB];
	_ =	sdelay $0x3  }
0x98: {  	_ =	strace s18  }
0x99: {  	s4 =	sld [smem:$0x3FFC];
	_ =	sdelay $0x3  }
0x9a: {  	_ =	strace s4  }
0x9b: {  	s4 =	sld [smem:$0x3FFD];
	_ =	sdelay $0x3  }
0x9c: {  	_ =	strace s4  }
0x9d: {  	_ =	strace $0x8FFFFFFF  }
0x9e: {  	s19 =	sld [smem:$0x3FDB];
	_ =	sdelay $0x1  }
0x9f: {  	s20 =	simm.s32 $_scs_section_size  }
0xa0: {  	s6 =	simm.s32 $_size__tile_overlayer_lowered;
	s7 =	simm.s32 $_tile_overlayer_lowered  }
0xa1: {  	s23 =	simm.s32 $0x1BFF;
	s22 =	sshll.u32 s7, $0x1;
	s4 =	sadd.s32 s20, s19  }
0xa2: {  	s8 =	simm.s32 $0x0;
	s21 =	sshll.u32 s6, $0x1;
	s6 =	sadd.s32 s22, s4  }
0xa3: {  	[timem:s8], [sflag:s23] =	dma.local [hbm:s6], s21  }
0xa4: {  	_ =	swait.ge [sflag:s23], s21  }
0xa5: {  	s5 =	ssub.s32 $0x0, s21;
	[sflag:s23] =	ssyncset.done $0x0  }
0xa6: {  	[sflag:s23] =	ssyncadd.s32 s5;
	_ =	sdelay $0x1  }
0xa7: {  	s24 =	simm.s32 $0x1B8B  }
0xa8: {  	_ =	swait.ge [sflag:s24], $0x1  }
0xa9: {  	[sflag:s24] =	ssyncset.done $0x0  }
0xaa: {  	s25 =	simm.s32 $0x1B8E;
	[sflag:s24] =	ssyncadd.s32 $0xFFFFFFFF  }
0xab: {  	s26 =	simm.s32 $execute0_lowered;
	[smem:$0x3FD2] =	sst s25  }
0xac: {  	s5 =	sshll.u32 s26, $0x1;
	_ =	strace $0x80000046;
	[dreg:$0x1] =	wrdreg $0xFFFFFFFF  }
0xad: {  	s28 =	simm.s32 $_size_execute0_lowered;
	s4 =	sadd.s32 s4, s5;
	[dreg:$0x0] =	wrdreg $0x0  }
0xae: {  	s5 =	sshll.u32 s28, $0x1;
	[dreg:$0x2] =	wrdreg s4  }
0xaf: {  	[dreg:$0x3] =	wrdreg s5  }
0xb0: {  	[dreg:$0x4] =	wrdreg $0xC0  }
0xb1: {  	_ =	task [dreg:s8], $0x5FFFF  }
0xb2: {  	[dreg:$0x1] =	wrdreg $0xFFFFFFFF  }
0xb3: {  	[dreg:$0x0] =	wrdreg $0x60  }
0xb4: {  	[dreg:$0x2] =	wrdreg s16  }
0xb5: {  	[dreg:$0x3] =	wrdreg s17  }
0xb6: {  	[dreg:$0x4] =	wrdreg $0x9  }
0xb7: {  	_ =	task.clear_ibuf [dreg:s8], $0x5FFFF;
	_ =	strace $0x90000046  }
0xb8: {  	s29 =	simm.s32 $0x9;
	_ =	strace $0x80000048  }
0xb9: {  	_ =	swait.ge [sflag:s29], $0x1  }
0xba: {  	[sflag:s29] =	ssyncadd.s32 $0xFFFFFFFF  }
0xbb: {  	_ =	strace $0x90000048  }
0xbc: {  	_ =	sfence  }
0xbd: {  	s30 =	sld [smem:$0x0];
	_ =	sdelay $0x2  }
0xbe: {  	s31 =	sshll.u32 s1, $0xD;
	s1 =	sshrl.u32 s1, $0x2  }
0xbf: {  	s3 =	sand.u32 $0x4000, s31;
	s1 =	sadd.s32 s1, s30  }
0xc0: {  	s0 =	sor.u32 s3, s0;
	s1 =	sshll.u32 s1, $0x11  }
0xc1: {  	s0 =	sor.u32 s1, s0  }
0xc2: {  	s0 =	sadd.s32 $0x8F2B, s0  }
0xc3: {  	[sflag:s0] =	ssyncadd.remote.s32 $0x1  }
0xc4: {  	_ =	sfence.sel $0xFFFF  }
0xc5: {  	[dreg:$0x0] =	wrdreg $0xFFFFFFFF;
	(pc) =	sbr.abs _section_cstart, $3  }
0xc6: {  	[dreg:$0x1] =	wrdreg $0xFFFFFFFF  }
0xc7: {  	_ =	task.clear_ibuf [dreg:s8], $0x2FFFF;
	_ =	strace $0x9FFFFFFF  }
0xc8: {  	(tm) =	ssettm $0x7FFFFFFF  }
0xc9: {  	_ =	shalt  }
tec
execute0_lowered:
.L_overlay_start_1:
0x0: {  	(tag) =	ssettag $0x1  }
0x1: {  	s1 =	srdreg.scid;
	s0 =	stileid.u32  }
0x2: {  	s5 =	sand.u32 $0x1, s1;
	s23 =	sshll.u32 s0, $0x1  }
0x3: {  	s2 =	sor.u32 s5, s23  }
0x4: {  	s4 =	smul.u32 $0xA0000, s2;
	_ =	sdelay $0x1  }
0x5: {  	s1 =	rddreg [dreg:$0x0];
	s2 =	simm.s32 $0x0;
	s4 =	sshrl.u32 s4, $0x3  }
0x6: {  	[smem:$0x7FF] =	sst s2;
	s6 =	sadd.s32 $0x180000, s4  }
0x7: {  	s3 =	rddreg [dreg:$0x1];
	_ =	strace $0x80000047;
	s7 =	sadd.s32 s1, s6  }
0x8: {  	s24 =	sadd.s32 $0x181000, s4;
	s6 =	sadd.s32 s3, s6;
	[dreg:$0x3] =	wrdreg s7  }
0x9: {  	s25 =	sadd.s32 s1, s24;
	[dreg:$0x4] =	wrdreg s6  }
0xa: {  	s0 =	sadd.s32 $0x182000, s4;
	s26 =	sadd.s32 s3, s24;
	[dreg:$0x5] =	wrdreg s25  }
0xb: {  	s8 =	sadd.s32 s1, s0;
	[dreg:$0x6] =	wrdreg s26  }
0xc: {  	s10 =	sadd.s32 $0x183000, s4;
	s9 =	sadd.s32 s3, s0;
	[dreg:$0x7] =	wrdreg s8  }
0xd: {  	p0 =	por $0x0, $0x0;
	s11 =	sadd.s32 s1, s10;
	[dreg:$0x8] =	wrdreg s9  }
0xe: {  	s13 =	sadd.s32 $0x184000, s4;
	s12 =	sadd.s32 s3, s10;
	[dreg:$0x9] =	wrdreg s11  }
0xf: {  	s5 =	ssub.s32 $0x2, s5;
	s14 =	sadd.s32 s1, s13;
	[dreg:$0xa] =	wrdreg s12  }
0x10: {  	s16 =	sadd.s32 $0x185000, s4;
	s15 =	sadd.s32 s3, s13;
	[dreg:$0xb] =	wrdreg s14  }
0x11: {  	s19 =	sadd.s32 $0x186000, s4;
	s17 =	sadd.s32 s1, s16;
	[dreg:$0xc] =	wrdreg s15  }
0x12: {  	s22 =	sadd.s32 $0x187000, s4;
	s18 =	sadd.s32 s3, s16;
	[dreg:$0xd] =	wrdreg s17  }
0x13: {  	s20 =	sadd.s32 s1, s19;
	s21 =	sadd.s32 s3, s19;
	[dreg:$0xe] =	wrdreg s18  }
0x14: {  	s23 =	sadd.s32 s1, s22;
	s24 =	sadd.s32 s3, s22;
	[dreg:$0xf] =	wrdreg s20  }
0x15: {  	s0 =	sadd.s32 $0x189000, s4;
	s10 =	sadd.s32 $0x18C000, s4;
	[dreg:$0x10] =	wrdreg s21  }
0x16: {  	s13 =	sadd.s32 $0x18F000, s4;
	[dreg:$0x11] =	wrdreg s23;
	s25 =	sadd.s32 $0x188000, s4  }
0x17: {  	s8 =	sshrl.u32 s5, $0x1;
	[dreg:$0x12] =	wrdreg s24;
	s30 =	sadd.s32 s1, s0  }
0x18: {  	s29 =	sadd.s32 s3, s0;
	s9 =	sadd.s32 $0x18B000, s4;
	s23 =	sadd.s32 s1, s10  }
0x19: {  	s11 =	sadd.s32 $0x18D000, s4;
	s22 =	sadd.s32 s3, s10;
	s12 =	sadd.s32 $0x18E000, s4  }
0x1a: {  	s17 =	sadd.s32 s1, s13;
	s14 =	sadd.s32 $0x190000, s4;
	s16 =	sadd.s32 s3, s13  }
0x1b: {  	s0 =	sadd.s32 $0x191000, s4;
	s6 =	simm.s32 $0x3;
	s26 =	sadd.s32 s1, s25  }
0x1c: {  	s5 =	ssub.s32 s5, s8;
	s31 =	sadd.s32 s3, s25;
	s8 =	sadd.s32 $0x18A000, s4  }
0x1d: {  	s25 =	sadd.s32 s1, s9;
	s24 =	sadd.s32 s3, s9;
	s21 =	sadd.s32 s1, s11  }
0x1e: {  	s20 =	sadd.s32 s3, s11;
	s19 =	sadd.s32 s1, s12;
	s18 =	sadd.s32 s3, s12  }
0x1f: {  	s15 =	sadd.s32 s1, s14;
	s14 =	sadd.s32 s3, s14;
	s13 =	smax.u32 s5, $0x1  }
0x20: {  	s12 =	sadd.s32 s1, s0;
	s11 =	sadd.s32 s3, s0;
	p1 =	sne.s32 s13, $0x1  }
.Ltmp0:
0x21: {  	s9 =	sadd.s32 $0x193000, s4;
	[dreg:$0x13] =	wrdreg s26;
	(pc) =	sbr.rel @!p1 .LBB2_3-.Ltmp0, $4  }
0x22: {  	s28 =	sadd.s32 s1, s8;
	s26 =	sadd.s32 s3, s8;
	s8 =	sadd.s32 $0x192000, s4  }
0x23: {  	s4 =	sadd.s32 s1, s9;
	s5 =	simm.s32 $0x4;
	s10 =	sadd.s32 s1, s8  }
0x24: {  	s7 =	sadd.s32 s3, s8;
	s3 =	sadd.s32 s3, s9;
	s0 =	sadd.s32 $0xFFFFFFFF, s13  }
0x25: {  	s13 =	simm.s32 $0x1;
	s8 =	simm.s32 $0x8000;
	s9 =	simm.s32 $0x2  }
0x26: {  	[dreg:$0x14] =	wrdreg s0  }
0x27: {  	s1 =	rddreg [dreg:$0x3]  }
0x28: {  	[tilespmem:s2], [sflag:$0x1] =	stream.linear.gather [hbm4b:s1+s2], $0x8000, $0x38;
	[tilespmem:$0x10000] =	vst v63  }
0x29: {  	_ =	swait.ge [sflag:s13], $0x8000  }
0x2a: {  	[sflag:s13] =	ssyncset.done $0x0  }
0x2b: {  	s0 =	rddreg [dreg:$0x4];
	[sflag:s13] =	ssyncadd.s32 $0xFFFF8000  }
0x2c: {  	[hbm4b:s0+s2] =	stream.linear.scatter [tilespmem:s2], [sflag:$0x3], $0x8000, $0x38;
	[tilespmem:$0x10000] =	vst v63  }
0x2d: {  	s1 =	rddreg [dreg:$0x5]  }
0x2e: {  	[tilespmem:s8], [sflag:$0x2] =	stream.linear.gather [hbm4b:s1+s2], $0x8000, $0x38;
	[tilespmem:$0x10000] =	vst v63  }
0x2f: {  	_ =	swait.ge [sflag:s9], $0x8000  }
0x30: {  	[sflag:s9] =	ssyncset.done $0x0  }
0x31: {  	s1 =	rddreg [dreg:$0x6];
	[sflag:s9] =	ssyncadd.s32 $0xFFFF8000  }
0x32: {  	[hbm4b:s1+s2] =	stream.linear.scatter [tilespmem:s8], [sflag:$0x4], $0x8000, $0x38;
	[tilespmem:$0x10000] =	vst v63  }
0x33: {  	_ =	swait.ge [sflag:s6], $0x8000  }
0x34: {  	[sflag:s6] =	ssyncset.done $0x0  }
0x35: {  	s1 =	rddreg [dreg:$0x7];
	[sflag:s6] =	ssyncadd.s32 $0xFFFF8000  }
0x36: {  	[tilespmem:s2], [sflag:$0x1] =	stream.linear.gather [hbm4b:s1+s2], $0x8000, $0x38;
	[tilespmem:$0x10000] =	vst v63  }
0x37: {  	_ =	swait.ge [sflag:s13], $0x8000  }
0x38: {  	[sflag:s13] =	ssyncset.done $0x0  }
0x39: {  	s1 =	rddreg [dreg:$0x8];
	[sflag:s13] =	ssyncadd.s32 $0xFFFF8000  }
0x3a: {  	[hbm4b:s1+s2] =	stream.linear.scatter [tilespmem:s2], [sflag:$0x3], $0x8000, $0x38;
	[tilespmem:$0x10000] =	vst v63  }
0x3b: {  	_ =	swait.ge [sflag:s5], $0x8000  }
0x3c: {  	[sflag:s5] =	ssyncset.done $0x0  }
0x3d: {  	s1 =	rddreg [dreg:$0x9];
	[sflag:s5] =	ssyncadd.s32 $0xFFFF8000  }
0x3e: {  	[tilespmem:s8], [sflag:$0x2] =	stream.linear.gather [hbm4b:s1+s2], $0x8000, $0x38;
	[tilespmem:$0x10000] =	vst v63  }
0x3f: {  	_ =	swait.ge [sflag:s9], $0x8000  }
0x40: {  	[sflag:s9] =	ssyncset.done $0x0  }
0x41: {  	s1 =	rddreg [dreg:$0xa];
	[sflag:s9] =	ssyncadd.s32 $0xFFFF8000  }
0x42: {  	[hbm4b:s1+s2] =	stream.linear.scatter [tilespmem:s8], [sflag:$0x4], $0x8000, $0x38;
	[tilespmem:$0x10000] =	vst v63  }
0x43: {  	_ =	swait.ge [sflag:s6], $0x8000  }
0x44: {  	[sflag:s6] =	ssyncset.done $0x0  }
0x45: {  	s1 =	rddreg [dreg:$0xb];
	[sflag:s6] =	ssyncadd.s32 $0xFFFF8000  }
0x46: {  	[tilespmem:s2], [sflag:$0x1] =	stream.linear.gather [hbm4b:s1+s2], $0x8000, $0x38;
	[tilespmem:$0x10000] =	vst v63  }
0x47: {  	_ =	swait.ge [sflag:s13], $0x8000  }
0x48: {  	[sflag:s13] =	ssyncset.done $0x0  }
0x49: {  	s1 =	rddreg [dreg:$0xc];
	[sflag:s13] =	ssyncadd.s32 $0xFFFF8000  }
0x4a: {  	[hbm4b:s1+s2] =	stream.linear.scatter [tilespmem:s2], [sflag:$0x3], $0x8000, $0x38;
	[tilespmem:$0x10000] =	vst v63  }
0x4b: {  	_ =	swait.ge [sflag:s5], $0x8000  }
0x4c: {  	[sflag:s5] =	ssyncset.done $0x0  }
0x4d: {  	s1 =	rddreg [dreg:$0xd];
	[sflag:s5] =	ssyncadd.s32 $0xFFFF8000  }
0x4e: {  	[tilespmem:s8], [sflag:$0x2] =	stream.linear.gather [hbm4b:s1+s2], $0x8000, $0x38;
	[tilespmem:$0x10000] =	vst v63  }
0x4f: {  	_ =	swait.ge [sflag:s9], $0x8000  }
0x50: {  	[sflag:s9] =	ssyncset.done $0x0  }
0x51: {  	s1 =	rddreg [dreg:$0xe];
	[sflag:s9] =	ssyncadd.s32 $0xFFFF8000  }
0x52: {  	[hbm4b:s1+s2] =	stream.linear.scatter [tilespmem:s8], [sflag:$0x4], $0x8000, $0x38;
	[tilespmem:$0x10000] =	vst v63  }
0x53: {  	_ =	swait.ge [sflag:s6], $0x8000  }
0x54: {  	[sflag:s6] =	ssyncset.done $0x0  }
0x55: {  	s1 =	rddreg [dreg:$0xf];
	[sflag:s6] =	ssyncadd.s32 $0xFFFF8000  }
0x56: {  	[tilespmem:s2], [sflag:$0x1] =	stream.linear.gather [hbm4b:s1+s2], $0x8000, $0x38;
	[tilespmem:$0x10000] =	vst v63  }
0x57: {  	_ =	swait.ge [sflag:s13], $0x8000  }
0x58: {  	[sflag:s13] =	ssyncset.done $0x0  }
0x59: {  	s1 =	rddreg [dreg:$0x10];
	[sflag:s13] =	ssyncadd.s32 $0xFFFF8000  }
0x5a: {  	[hbm4b:s1+s2] =	stream.linear.scatter [tilespmem:s2], [sflag:$0x3], $0x8000, $0x38;
	[tilespmem:$0x10000] =	vst v63  }
0x5b: {  	_ =	swait.ge [sflag:s5], $0x8000  }
0x5c: {  	[sflag:s5] =	ssyncset.done $0x0  }
0x5d: {  	s1 =	rddreg [dreg:$0x11];
	[sflag:s5] =	ssyncadd.s32 $0xFFFF8000  }
0x5e: {  	[tilespmem:s8], [sflag:$0x2] =	stream.linear.gather [hbm4b:s1+s2], $0x8000, $0x38;
	[tilespmem:$0x10000] =	vst v63  }
0x5f: {  	_ =	swait.ge [sflag:s9], $0x8000  }
0x60: {  	[sflag:s9] =	ssyncset.done $0x0  }
0x61: {  	s1 =	rddreg [dreg:$0x12];
	[sflag:s9] =	ssyncadd.s32 $0xFFFF8000  }
0x62: {  	[hbm4b:s1+s2] =	stream.linear.scatter [tilespmem:s8], [sflag:$0x4], $0x8000, $0x38;
	[tilespmem:$0x10000] =	vst v63  }
0x63: {  	_ =	swait.ge [sflag:s6], $0x8000  }
0x64: {  	[sflag:s6] =	ssyncset.done $0x0  }
0x65: {  	s1 =	rddreg [dreg:$0x13];
	[sflag:s6] =	ssyncadd.s32 $0xFFFF8000  }
0x66: {  	[tilespmem:s2], [sflag:$0x1] =	stream.linear.gather [hbm4b:s1+s2], $0x8000, $0x38;
	[tilespmem:$0x10000] =	vst v63  }
0x67: {  	_ =	swait.ge [sflag:s13], $0x8000  }
0x68: {  	[sflag:s13] =	ssyncset.done $0x0  }
0x69: {  	[sflag:s13] =	ssyncadd.s32 $0xFFFF8000  }
0x6a: {  	[hbm4b:s31+s2] =	stream.linear.scatter [tilespmem:s2], [sflag:$0x3], $0x8000, $0x38;
	[tilespmem:$0x10000] =	vst v63  }
0x6b: {  	_ =	swait.ge [sflag:s5], $0x8000  }
0x6c: {  	[sflag:s5] =	ssyncset.done $0x0  }
0x6d: {  	[sflag:s5] =	ssyncadd.s32 $0xFFFF8000  }
0x6e: {  	[tilespmem:s8], [sflag:$0x2] =	stream.linear.gather [hbm4b:s30+s2], $0x8000, $0x38;
	[tilespmem:$0x10000] =	vst v63  }
0x6f: {  	_ =	swait.ge [sflag:s9], $0x8000  }
0x70: {  	[sflag:s9] =	ssyncset.done $0x0  }
0x71: {  	[sflag:s9] =	ssyncadd.s32 $0xFFFF8000  }
0x72: {  	[hbm4b:s29+s2] =	stream.linear.scatter [tilespmem:s8], [sflag:$0x4], $0x8000, $0x38;
	[tilespmem:$0x10000] =	vst v63  }
0x73: {  	_ =	swait.ge [sflag:s6], $0x8000  }
0x74: {  	[sflag:s6] =	ssyncset.done $0x0  }
0x75: {  	[sflag:s6] =	ssyncadd.s32 $0xFFFF8000  }
0x76: {  	[tilespmem:s2], [sflag:$0x1] =	stream.linear.gather [hbm4b:s28+s2], $0x8000, $0x38;
	[tilespmem:$0x10000] =	vst v63  }
0x77: {  	_ =	swait.ge [sflag:s13], $0x8000  }
0x78: {  	[sflag:s13] =	ssyncset.done $0x0  }
0x79: {  	[sflag:s13] =	ssyncadd.s32 $0xFFFF8000  }
0x7a: {  	[hbm4b:s26+s2] =	stream.linear.scatter [tilespmem:s2], [sflag:$0x3], $0x8000, $0x38;
	[tilespmem:$0x10000] =	vst v63  }
0x7b: {  	_ =	swait.ge [sflag:s5], $0x8000  }
0x7c: {  	[sflag:s5] =	ssyncset.done $0x0  }
0x7d: {  	[sflag:s5] =	ssyncadd.s32 $0xFFFF8000  }
0x7e: {  	[tilespmem:s8], [sflag:$0x2] =	stream.linear.gather [hbm4b:s25+s2], $0x8000, $0x38;
	[tilespmem:$0x10000] =	vst v63  }
0x7f: {  	_ =	swait.ge [sflag:s9], $0x8000  }
0x80: {  	[sflag:s9] =	ssyncset.done $0x0  }
0x81: {  	[sflag:s9] =	ssyncadd.s32 $0xFFFF8000  }
0x82: {  	[hbm4b:s24+s2] =	stream.linear.scatter [tilespmem:s8], [sflag:$0x4], $0x8000, $0x38;
	[tilespmem:$0x10000] =	vst v63  }
0x83: {  	_ =	swait.ge [sflag:s6], $0x8000  }
0x84: {  	[sflag:s6] =	ssyncset.done $0x0  }
0x85: {  	[sflag:s6] =	ssyncadd.s32 $0xFFFF8000  }
0x86: {  	[tilespmem:s2], [sflag:$0x1] =	stream.linear.gather [hbm4b:s23+s2], $0x8000, $0x38;
	[tilespmem:$0x10000] =	vst v63  }
0x87: {  	_ =	swait.ge [sflag:s13], $0x8000  }
0x88: {  	[sflag:s13] =	ssyncset.done $0x0  }
0x89: {  	[sflag:s13] =	ssyncadd.s32 $0xFFFF8000  }
0x8a: {  	[hbm4b:s22+s2] =	stream.linear.scatter [tilespmem:s2], [sflag:$0x3], $0x8000, $0x38;
	[tilespmem:$0x10000] =	vst v63  }
0x8b: {  	_ =	swait.ge [sflag:s5], $0x8000  }
0x8c: {  	[sflag:s5] =	ssyncset.done $0x0  }
0x8d: {  	[sflag:s5] =	ssyncadd.s32 $0xFFFF8000  }
0x8e: {  	[tilespmem:s8], [sflag:$0x2] =	stream.linear.gather [hbm4b:s21+s2], $0x8000, $0x38;
	[tilespmem:$0x10000] =	vst v63  }
0x8f: {  	_ =	swait.ge [sflag:s9], $0x8000  }
0x90: {  	[sflag:s9] =	ssyncset.done $0x0  }
0x91: {  	[sflag:s9] =	ssyncadd.s32 $0xFFFF8000  }
0x92: {  	[hbm4b:s20+s2] =	stream.linear.scatter [tilespmem:s8], [sflag:$0x4], $0x8000, $0x38;
	[tilespmem:$0x10000] =	vst v63  }
0x93: {  	_ =	swait.ge [sflag:s6], $0x8000  }
0x94: {  	[sflag:s6] =	ssyncset.done $0x0  }
0x95: {  	[sflag:s6] =	ssyncadd.s32 $0xFFFF8000  }
0x96: {  	[tilespmem:s2], [sflag:$0x1] =	stream.linear.gather [hbm4b:s19+s2], $0x8000, $0x38;
	[tilespmem:$0x10000] =	vst v63  }
0x97: {  	_ =	swait.ge [sflag:s13], $0x8000  }
0x98: {  	[sflag:s13] =	ssyncset.done $0x0  }
0x99: {  	[sflag:s13] =	ssyncadd.s32 $0xFFFF8000  }
0x9a: {  	[hbm4b:s18+s2] =	stream.linear.scatter [tilespmem:s2], [sflag:$0x3], $0x8000, $0x38;
	[tilespmem:$0x10000] =	vst v63  }
0x9b: {  	_ =	swait.ge [sflag:s5], $0x8000  }
0x9c: {  	[sflag:s5] =	ssyncset.done $0x0  }
0x9d: {  	[sflag:s5] =	ssyncadd.s32 $0xFFFF8000  }
0x9e: {  	[tilespmem:s8], [sflag:$0x2] =	stream.linear.gather [hbm4b:s17+s2], $0x8000, $0x38;
	[tilespmem:$0x10000] =	vst v63  }
0x9f: {  	_ =	swait.ge [sflag:s9], $0x8000  }
0xa0: {  	[sflag:s9] =	ssyncset.done $0x0  }
0xa1: {  	[sflag:s9] =	ssyncadd.s32 $0xFFFF8000  }
0xa2: {  	[hbm4b:s16+s2] =	stream.linear.scatter [tilespmem:s8], [sflag:$0x4], $0x8000, $0x38;
	[tilespmem:$0x10000] =	vst v63  }
0xa3: {  	_ =	swait.ge [sflag:s6], $0x8000  }
0xa4: {  	[sflag:s6] =	ssyncset.done $0x0  }
0xa5: {  	[sflag:s6] =	ssyncadd.s32 $0xFFFF8000  }
0xa6: {  	[tilespmem:s2], [sflag:$0x1] =	stream.linear.gather [hbm4b:s15+s2], $0x8000, $0x38;
	[tilespmem:$0x10000] =	vst v63  }
0xa7: {  	_ =	swait.ge [sflag:s13], $0x8000  }
0xa8: {  	[sflag:s13] =	ssyncset.done $0x0  }
0xa9: {  	[sflag:s13] =	ssyncadd.s32 $0xFFFF8000  }
0xaa: {  	[hbm4b:s14+s2] =	stream.linear.scatter [tilespmem:s2], [sflag:$0x3], $0x8000, $0x38;
	[tilespmem:$0x10000] =	vst v63  }
0xab: {  	_ =	swait.ge [sflag:s5], $0x8000  }
0xac: {  	[sflag:s5] =	ssyncset.done $0x0  }
0xad: {  	[sflag:s5] =	ssyncadd.s32 $0xFFFF8000  }
0xae: {  	[tilespmem:s8], [sflag:$0x2] =	stream.linear.gather [hbm4b:s12+s2], $0x8000, $0x38;
	[tilespmem:$0x10000] =	vst v63  }
0xaf: {  	_ =	swait.ge [sflag:s9], $0x8000  }
0xb0: {  	[sflag:s9] =	ssyncset.done $0x0  }
0xb1: {  	[sflag:s9] =	ssyncadd.s32 $0xFFFF8000  }
0xb2: {  	[hbm4b:s11+s2] =	stream.linear.scatter [tilespmem:s8], [sflag:$0x4], $0x8000, $0x38;
	[tilespmem:$0x10000] =	vst v63  }
0xb3: {  	_ =	swait.ge [sflag:s6], $0x8000  }
0xb4: {  	[sflag:s6] =	ssyncset.done $0x0  }
0xb5: {  	[sflag:s6] =	ssyncadd.s32 $0xFFFF8000  }
0xb6: {  	[tilespmem:s2], [sflag:$0x1] =	stream.linear.gather [hbm4b:s10+s2], $0x8000, $0x38;
	[tilespmem:$0x10000] =	vst v63  }
0xb7: {  	_ =	swait.ge [sflag:s13], $0x8000  }
0xb8: {  	[sflag:s13] =	ssyncset.done $0x0  }
0xb9: {  	[sflag:s13] =	ssyncadd.s32 $0xFFFF8000  }
0xba: {  	[hbm4b:s7+s2] =	stream.linear.scatter [tilespmem:s2], [sflag:$0x3], $0x8000, $0x38;
	[tilespmem:$0x10000] =	vst v63  }
0xbb: {  	_ =	swait.ge [sflag:s5], $0x8000  }
0xbc: {  	[sflag:s5] =	ssyncset.done $0x0  }
0xbd: {  	[sflag:s5] =	ssyncadd.s32 $0xFFFF8000  }
0xbe: {  	[tilespmem:s8], [sflag:$0x2] =	stream.linear.gather [hbm4b:s4+s2], $0x8000, $0x38;
	[tilespmem:$0x10000] =	vst v63  }
0xbf: {  	_ =	swait.ge [sflag:s9], $0x8000  }
0xc0: {  	[sflag:s9] =	ssyncset.done $0x0  }
0xc1: {  	[sflag:s9] =	ssyncadd.s32 $0xFFFF8000  }
0xc2: {  	[hbm4b:s3+s2] =	stream.linear.scatter [tilespmem:s8], [sflag:$0x4], $0x8000, $0x38;
	[tilespmem:$0x10000] =	vst v63  }
0xc3: {  	_ =	swait.ge [sflag:s6], $0x8000  }
0xc4: {  	s1 =	rddreg [dreg:$0x14]  }
0xc5: {  	p1 =	sne.s32 s1, $0x1  }
.Ltmp1:
0xc6: {  	_ = 	snop;
	(pc) =	sbr.rel @!p1 .LBB2_3-.Ltmp1, $4  }
0xc7: {  	[sflag:s6] =	ssyncset.done $0x0  }
0xc8: {  	[sflag:s6] =	ssyncadd.s32 $0xFFFF8000  }
0xc9: {  	_ =	swait.ge [sflag:s5], $0x8000  }
0xca: {  	p0 =	por $0x1, $0x1;
	s1 =	sadd.s32 $0xFFFFFFFF, s1;
	[sflag:s5] =	ssyncset.done $0x0  }
.LBB2_2:
0xcb: {  	s0 =	rddreg [dreg:$0x3]  }
0xcc: {  	[sflag:s5] =	ssyncadd.s32 $0xFFFF8000;
	s5 =	simm.s32 $0x8000;
	s8 =	smov.u32 s31  }
0xcd: {  	s31 =	smov.u32 s30;
	s30 =	smov.u32 s29;
	s29 =	smov.u32 s28  }
0xce: {  	s28 =	smov.u32 s26;
	s26 =	smov.u32 s25;
	s25 =	smov.u32 s24  }
0xcf: {  	s24 =	smov.u32 s23;
	s23 =	smov.u32 s22;
	s22 =	smov.u32 s21  }
0xd0: {  	s21 =	smov.u32 s20;
	s20 =	smov.u32 s19;
	s19 =	smov.u32 s18  }
0xd1: {  	s18 =	smov.u32 s17;
	s17 =	smov.u32 s16;
	s16 =	smov.u32 s15  }
0xd2: {  	[tilespmem:s2], [sflag:$0x1] =	stream.linear.gather [hbm4b:s0+s2], $0x8000, $0x38;
	[tilespmem:$0x10000] =	vst v63  }
0xd3: {  	s15 =	smov.u32 s14;
	s14 =	smov.u32 s12;
	_ =	swait.ge [sflag:s13], $0x8000  }
0xd4: {  	s12 =	smov.u32 s11;
	s11 =	smov.u32 s10;
	[sflag:s13] =	ssyncset.done $0x0  }
0xd5: {  	s10 =	smov.u32 s7;
	s0 =	rddreg [dreg:$0x4];
	[sflag:s13] =	ssyncadd.s32 $0xFFFF8000  }
0xd6: {  	[hbm4b:s0+s2] =	stream.linear.scatter [tilespmem:s2], [sflag:$0x3], $0x8000, $0x38;
	[tilespmem:$0x10000] =	vst v63  }
0xd7: {  	s7 =	smov.u32 s4;
	s4 =	smov.u32 s3;
	s3 =	rddreg [dreg:$0x5]  }
0xd8: {  	[tilespmem:s5], [sflag:$0x2] =	stream.linear.gather [hbm4b:s3+s2], $0x8000, $0x38;
	[tilespmem:$0x10000] =	vst v63  }
0xd9: {  	s3 =	smov.u32 s4  }
0xda: {  	s4 =	smov.u32 s7;
	s7 =	smov.u32 s10;
	s10 =	smov.u32 s11  }
0xdb: {  	s11 =	smov.u32 s12;
	s12 =	smov.u32 s14;
	s14 =	smov.u32 s15  }
0xdc: {  	s15 =	smov.u32 s16;
	s16 =	smov.u32 s17;
	s17 =	smov.u32 s18  }
0xdd: {  	s18 =	smov.u32 s19;
	s19 =	smov.u32 s20;
	s20 =	smov.u32 s21  }
0xde: {  	s21 =	smov.u32 s22;
	s22 =	smov.u32 s23;
	s23 =	smov.u32 s24  }
0xdf: {  	s24 =	smov.u32 s25;
	s25 =	smov.u32 s26;
	s26 =	smov.u32 s28  }
0xe0: {  	s28 =	smov.u32 s29;
	s29 =	smov.u32 s30;
	_ =	swait.ge [sflag:s9], $0x8000  }
0xe1: {  	s30 =	smov.u32 s31;
	s31 =	smov.u32 s8;
	[sflag:s9] =	ssyncset.done $0x0  }
0xe2: {  	s8 =	simm.s32 $0x8000;
	s0 =	rddreg [dreg:$0x6];
	[sflag:s9] =	ssyncadd.s32 $0xFFFF8000  }
0xe3: {  	[hbm4b:s0+s2] =	stream.linear.scatter [tilespmem:s8], [sflag:$0x4], $0x8000, $0x38;
	[tilespmem:$0x10000] =	vst v63  }
0xe4: {  	_ =	swait.ge [sflag:s6], $0x8000  }
0xe5: {  	[sflag:s6] =	ssyncset.done $0x0  }
0xe6: {  	s0 =	rddreg [dreg:$0x7];
	[sflag:s6] =	ssyncadd.s32 $0xFFFF8000  }
0xe7: {  	[tilespmem:s2], [sflag:$0x1] =	stream.linear.gather [hbm4b:s0+s2], $0x8000, $0x38;
	[tilespmem:$0x10000] =	vst v63  }
0xe8: {  	_ =	swait.ge [sflag:s13], $0x8000  }
0xe9: {  	[sflag:s13] =	ssyncset.done $0x0  }
0xea: {  	s5 =	simm.s32 $0x4;
	s0 =	rddreg [dreg:$0x8];
	[sflag:s13] =	ssyncadd.s32 $0xFFFF8000  }
0xeb: {  	[hbm4b:s0+s2] =	stream.linear.scatter [tilespmem:s2], [sflag:$0x3], $0x8000, $0x38;
	[tilespmem:$0x10000] =	vst v63  }
0xec: {  	_ =	swait.ge [sflag:s5], $0x8000  }
0xed: {  	[sflag:s5] =	ssyncset.done $0x0  }
0xee: {  	s0 =	rddreg [dreg:$0x9];
	[sflag:s5] =	ssyncadd.s32 $0xFFFF8000  }
0xef: {  	[tilespmem:s8], [sflag:$0x2] =	stream.linear.gather [hbm4b:s0+s2], $0x8000, $0x38;
	[tilespmem:$0x10000] =	vst v63  }
0xf0: {  	_ =	swait.ge [sflag:s9], $0x8000  }
0xf1: {  	[sflag:s9] =	ssyncset.done $0x0  }
0xf2: {  	s0 =	rddreg [dreg:$0xa];
	[sflag:s9] =	ssyncadd.s32 $0xFFFF8000  }
0xf3: {  	[hbm4b:s0+s2] =	stream.linear.scatter [tilespmem:s8], [sflag:$0x4], $0x8000, $0x38;
	[tilespmem:$0x10000] =	vst v63  }
0xf4: {  	_ =	swait.ge [sflag:s6], $0x8000  }
0xf5: {  	[sflag:s6] =	ssyncset.done $0x0  }
0xf6: {  	s0 =	rddreg [dreg:$0xb];
	[sflag:s6] =	ssyncadd.s32 $0xFFFF8000  }
0xf7: {  	[tilespmem:s2], [sflag:$0x1] =	stream.linear.gather [hbm4b:s0+s2], $0x8000, $0x38;
	[tilespmem:$0x10000] =	vst v63  }
0xf8: {  	_ =	swait.ge [sflag:s13], $0x8000  }
0xf9: {  	[sflag:s13] =	ssyncset.done $0x0  }
0xfa: {  	s0 =	rddreg [dreg:$0xc];
	[sflag:s13] =	ssyncadd.s32 $0xFFFF8000  }
0xfb: {  	[hbm4b:s0+s2] =	stream.linear.scatter [tilespmem:s2], [sflag:$0x3], $0x8000, $0x38;
	[tilespmem:$0x10000] =	vst v63  }
0xfc: {  	_ =	swait.ge [sflag:s5], $0x8000  }
0xfd: {  	[sflag:s5] =	ssyncset.done $0x0  }
0xfe: {  	s0 =	rddreg [dreg:$0xd];
	[sflag:s5] =	ssyncadd.s32 $0xFFFF8000  }
0xff: {  	[tilespmem:s8], [sflag:$0x2] =	stream.linear.gather [hbm4b:s0+s2], $0x8000, $0x38;
	[tilespmem:$0x10000] =	vst v63  }
0x100: {  	_ =	swait.ge [sflag:s9], $0x8000  }
0x101: {  	[sflag:s9] =	ssyncset.done $0x0  }
0x102: {  	s0 =	rddreg [dreg:$0xe];
	[sflag:s9] =	ssyncadd.s32 $0xFFFF8000  }
0x103: {  	[hbm4b:s0+s2] =	stream.linear.scatter [tilespmem:s8], [sflag:$0x4], $0x8000, $0x38;
	[tilespmem:$0x10000] =	vst v63  }
0x104: {  	_ =	swait.ge [sflag:s6], $0x8000  }
0x105: {  	[sflag:s6] =	ssyncset.done $0x0  }
0x106: {  	s0 =	rddreg [dreg:$0xf];
	[sflag:s6] =	ssyncadd.s32 $0xFFFF8000  }
0x107: {  	[tilespmem:s2], [sflag:$0x1] =	stream.linear.gather [hbm4b:s0+s2], $0x8000, $0x38;
	[tilespmem:$0x10000] =	vst v63  }
0x108: {  	_ =	swait.ge [sflag:s13], $0x8000  }
0x109: {  	[sflag:s13] =	ssyncset.done $0x0  }
0x10a: {  	s0 =	rddreg [dreg:$0x10];
	[sflag:s13] =	ssyncadd.s32 $0xFFFF8000  }
0x10b: {  	[hbm4b:s0+s2] =	stream.linear.scatter [tilespmem:s2], [sflag:$0x3], $0x8000, $0x38;
	[tilespmem:$0x10000] =	vst v63  }
0x10c: {  	_ =	swait.ge [sflag:s5], $0x8000  }
0x10d: {  	[sflag:s5] =	ssyncset.done $0x0  }
0x10e: {  	s0 =	rddreg [dreg:$0x11];
	[sflag:s5] =	ssyncadd.s32 $0xFFFF8000  }
0x10f: {  	[tilespmem:s8], [sflag:$0x2] =	stream.linear.gather [hbm4b:s0+s2], $0x8000, $0x38;
	[tilespmem:$0x10000] =	vst v63  }
0x110: {  	_ =	swait.ge [sflag:s9], $0x8000  }
0x111: {  	[sflag:s9] =	ssyncset.done $0x0  }
0x112: {  	s0 =	rddreg [dreg:$0x12];
	[sflag:s9] =	ssyncadd.s32 $0xFFFF8000  }
0x113: {  	[hbm4b:s0+s2] =	stream.linear.scatter [tilespmem:s8], [sflag:$0x4], $0x8000, $0x38;
	[tilespmem:$0x10000] =	vst v63  }
0x114: {  	_ =	swait.ge [sflag:s6], $0x8000  }
0x115: {  	[sflag:s6] =	ssyncset.done $0x0  }
0x116: {  	s0 =	rddreg [dreg:$0x13];
	[sflag:s6] =	ssyncadd.s32 $0xFFFF8000  }
0x117: {  	[tilespmem:s2], [sflag:$0x1] =	stream.linear.gather [hbm4b:s0+s2], $0x8000, $0x38;
	[tilespmem:$0x10000] =	vst v63  }
0x118: {  	_ =	swait.ge [sflag:s13], $0x8000  }
0x119: {  	[sflag:s13] =	ssyncset.done $0x0  }
0x11a: {  	[sflag:s13] =	ssyncadd.s32 $0xFFFF8000  }
0x11b: {  	[hbm4b:s31+s2] =	stream.linear.scatter [tilespmem:s2], [sflag:$0x3], $0x8000, $0x38;
	[tilespmem:$0x10000] =	vst v63  }
0x11c: {  	_ =	swait.ge [sflag:s5], $0x8000  }
0x11d: {  	[sflag:s5] =	ssyncset.done $0x0  }
0x11e: {  	[sflag:s5] =	ssyncadd.s32 $0xFFFF8000  }
0x11f: {  	[tilespmem:s8], [sflag:$0x2] =	stream.linear.gather [hbm4b:s30+s2], $0x8000, $0x38;
	[tilespmem:$0x10000] =	vst v63  }
0x120: {  	_ =	swait.ge [sflag:s9], $0x8000  }
0x121: {  	[sflag:s9] =	ssyncset.done $0x0  }
0x122: {  	[sflag:s9] =	ssyncadd.s32 $0xFFFF8000  }
0x123: {  	[hbm4b:s29+s2] =	stream.linear.scatter [tilespmem:s8], [sflag:$0x4], $0x8000, $0x38;
	[tilespmem:$0x10000] =	vst v63  }
0x124: {  	_ =	swait.ge [sflag:s6], $0x8000  }
0x125: {  	[sflag:s6] =	ssyncset.done $0x0  }
0x126: {  	[sflag:s6] =	ssyncadd.s32 $0xFFFF8000  }
0x127: {  	[tilespmem:s2], [sflag:$0x1] =	stream.linear.gather [hbm4b:s28+s2], $0x8000, $0x38;
	[tilespmem:$0x10000] =	vst v63  }
0x128: {  	_ =	swait.ge [sflag:s13], $0x8000  }
0x129: {  	[sflag:s13] =	ssyncset.done $0x0  }
0x12a: {  	[sflag:s13] =	ssyncadd.s32 $0xFFFF8000  }
0x12b: {  	[hbm4b:s26+s2] =	stream.linear.scatter [tilespmem:s2], [sflag:$0x3], $0x8000, $0x38;
	[tilespmem:$0x10000] =	vst v63  }
0x12c: {  	_ =	swait.ge [sflag:s5], $0x8000  }
0x12d: {  	[sflag:s5] =	ssyncset.done $0x0  }
0x12e: {  	[sflag:s5] =	ssyncadd.s32 $0xFFFF8000  }
0x12f: {  	[tilespmem:s8], [sflag:$0x2] =	stream.linear.gather [hbm4b:s25+s2], $0x8000, $0x38;
	[tilespmem:$0x10000] =	vst v63  }
0x130: {  	_ =	swait.ge [sflag:s9], $0x8000  }
0x131: {  	[sflag:s9] =	ssyncset.done $0x0  }
0x132: {  	[sflag:s9] =	ssyncadd.s32 $0xFFFF8000  }
0x133: {  	[hbm4b:s24+s2] =	stream.linear.scatter [tilespmem:s8], [sflag:$0x4], $0x8000, $0x38;
	[tilespmem:$0x10000] =	vst v63  }
0x134: {  	_ =	swait.ge [sflag:s6], $0x8000  }
0x135: {  	[sflag:s6] =	ssyncset.done $0x0  }
0x136: {  	[sflag:s6] =	ssyncadd.s32 $0xFFFF8000  }
0x137: {  	[tilespmem:s2], [sflag:$0x1] =	stream.linear.gather [hbm4b:s23+s2], $0x8000, $0x38;
	[tilespmem:$0x10000] =	vst v63  }
0x138: {  	_ =	swait.ge [sflag:s13], $0x8000  }
0x139: {  	[sflag:s13] =	ssyncset.done $0x0  }
0x13a: {  	[sflag:s13] =	ssyncadd.s32 $0xFFFF8000  }
0x13b: {  	[hbm4b:s22+s2] =	stream.linear.scatter [tilespmem:s2], [sflag:$0x3], $0x8000, $0x38;
	[tilespmem:$0x10000] =	vst v63  }
0x13c: {  	_ =	swait.ge [sflag:s5], $0x8000  }
0x13d: {  	[sflag:s5] =	ssyncset.done $0x0  }
0x13e: {  	[sflag:s5] =	ssyncadd.s32 $0xFFFF8000  }
0x13f: {  	[tilespmem:s8], [sflag:$0x2] =	stream.linear.gather [hbm4b:s21+s2], $0x8000, $0x38;
	[tilespmem:$0x10000] =	vst v63  }
0x140: {  	_ =	swait.ge [sflag:s9], $0x8000  }
0x141: {  	[sflag:s9] =	ssyncset.done $0x0  }
0x142: {  	[sflag:s9] =	ssyncadd.s32 $0xFFFF8000  }
0x143: {  	[hbm4b:s20+s2] =	stream.linear.scatter [tilespmem:s8], [sflag:$0x4], $0x8000, $0x38;
	[tilespmem:$0x10000] =	vst v63  }
0x144: {  	_ =	swait.ge [sflag:s6], $0x8000  }
0x145: {  	[sflag:s6] =	ssyncset.done $0x0  }
0x146: {  	[sflag:s6] =	ssyncadd.s32 $0xFFFF8000  }
0x147: {  	[tilespmem:s2], [sflag:$0x1] =	stream.linear.gather [hbm4b:s19+s2], $0x8000, $0x38;
	[tilespmem:$0x10000] =	vst v63  }
0x148: {  	_ =	swait.ge [sflag:s13], $0x8000  }
0x149: {  	[sflag:s13] =	ssyncset.done $0x0  }
0x14a: {  	[sflag:s13] =	ssyncadd.s32 $0xFFFF8000  }
0x14b: {  	[hbm4b:s18+s2] =	stream.linear.scatter [tilespmem:s2], [sflag:$0x3], $0x8000, $0x38;
	[tilespmem:$0x10000] =	vst v63  }
0x14c: {  	_ =	swait.ge [sflag:s5], $0x8000  }
0x14d: {  	[sflag:s5] =	ssyncset.done $0x0  }
0x14e: {  	[sflag:s5] =	ssyncadd.s32 $0xFFFF8000  }
0x14f: {  	[tilespmem:s8], [sflag:$0x2] =	stream.linear.gather [hbm4b:s17+s2], $0x8000, $0x38;
	[tilespmem:$0x10000] =	vst v63  }
0x150: {  	_ =	swait.ge [sflag:s9], $0x8000  }
0x151: {  	[sflag:s9] =	ssyncset.done $0x0  }
0x152: {  	[sflag:s9] =	ssyncadd.s32 $0xFFFF8000  }
0x153: {  	[hbm4b:s16+s2] =	stream.linear.scatter [tilespmem:s8], [sflag:$0x4], $0x8000, $0x38;
	[tilespmem:$0x10000] =	vst v63  }
0x154: {  	_ =	swait.ge [sflag:s6], $0x8000  }
0x155: {  	[sflag:s6] =	ssyncset.done $0x0  }
0x156: {  	[sflag:s6] =	ssyncadd.s32 $0xFFFF8000  }
0x157: {  	[tilespmem:s2], [sflag:$0x1] =	stream.linear.gather [hbm4b:s15+s2], $0x8000, $0x38;
	[tilespmem:$0x10000] =	vst v63  }
0x158: {  	_ =	swait.ge [sflag:s13], $0x8000  }
0x159: {  	[sflag:s13] =	ssyncset.done $0x0  }
0x15a: {  	[sflag:s13] =	ssyncadd.s32 $0xFFFF8000  }
0x15b: {  	[hbm4b:s14+s2] =	stream.linear.scatter [tilespmem:s2], [sflag:$0x3], $0x8000, $0x38;
	[tilespmem:$0x10000] =	vst v63  }
0x15c: {  	_ =	swait.ge [sflag:s5], $0x8000  }
0x15d: {  	[sflag:s5] =	ssyncset.done $0x0  }
0x15e: {  	[sflag:s5] =	ssyncadd.s32 $0xFFFF8000  }
0x15f: {  	[tilespmem:s8], [sflag:$0x2] =	stream.linear.gather [hbm4b:s12+s2], $0x8000, $0x38;
	[tilespmem:$0x10000] =	vst v63  }
0x160: {  	_ =	swait.ge [sflag:s9], $0x8000  }
0x161: {  	[sflag:s9] =	ssyncset.done $0x0  }
0x162: {  	[sflag:s9] =	ssyncadd.s32 $0xFFFF8000  }
0x163: {  	[hbm4b:s11+s2] =	stream.linear.scatter [tilespmem:s8], [sflag:$0x4], $0x8000, $0x38;
	[tilespmem:$0x10000] =	vst v63  }
0x164: {  	_ =	swait.ge [sflag:s6], $0x8000  }
0x165: {  	[sflag:s6] =	ssyncset.done $0x0  }
0x166: {  	[sflag:s6] =	ssyncadd.s32 $0xFFFF8000  }
0x167: {  	[tilespmem:s2], [sflag:$0x1] =	stream.linear.gather [hbm4b:s10+s2], $0x8000, $0x38;
	[tilespmem:$0x10000] =	vst v63  }
0x168: {  	_ =	swait.ge [sflag:s13], $0x8000  }
0x169: {  	[sflag:s13] =	ssyncset.done $0x0  }
0x16a: {  	[sflag:s13] =	ssyncadd.s32 $0xFFFF8000  }
0x16b: {  	[hbm4b:s7+s2] =	stream.linear.scatter [tilespmem:s2], [sflag:$0x3], $0x8000, $0x38;
	[tilespmem:$0x10000] =	vst v63  }
0x16c: {  	_ =	swait.ge [sflag:s5], $0x8000  }
0x16d: {  	[sflag:s5] =	ssyncset.done $0x0  }
0x16e: {  	[sflag:s5] =	ssyncadd.s32 $0xFFFF8000  }
0x16f: {  	[tilespmem:s8], [sflag:$0x2] =	stream.linear.gather [hbm4b:s4+s2], $0x8000, $0x38;
	[tilespmem:$0x10000] =	vst v63  }
0x170: {  	_ =	swait.ge [sflag:s9], $0x8000  }
0x171: {  	[sflag:s9] =	ssyncset.done $0x0  }
0x172: {  	p1 =	sne.s32 s1, $0x1;
	[sflag:s9] =	ssyncadd.s32 $0xFFFF8000  }
0x173: {  	[hbm4b:s3+s2] =	stream.linear.scatter [tilespmem:s8], [sflag:$0x4], $0x8000, $0x38;
	[tilespmem:$0x10000] =	vst v63  }
.Ltmp2:
0x174: {  	_ =	swait.ge [sflag:s6], $0x8000;
	(pc) =	sbr.rel @p1 .LBB2_2-.Ltmp2, $4  }
0x175: {  	[sflag:s6] =	ssyncset.done $0x0  }
0x176: {  	[sflag:s6] =	ssyncadd.s32 $0xFFFF8000  }
0x177: {  	_ =	swait.ge [sflag:s5], $0x8000  }
0x178: {  	s1 =	sadd.s32 $0xFFFFFFFF, s1;
	[sflag:s5] =	ssyncset.done $0x0  }
.LBB2_3:
0x179: {  	s0 =	rddreg [dreg:$0x3];
	[sflag:s5] =	ssyncadd.s32 @p0 $0xFFFF8000  }
0x17a: {  	[tilespmem:s2], [sflag:$0x1] =	stream.linear.gather [hbm4b:s0+s2], $0x8000, $0x38;
	[tilespmem:$0x10000] =	vst v63  }
0x17b: {  	_ =	swait.ge [sflag:s13], $0x8000  }
0x17c: {  	[sflag:s13] =	ssyncset.done $0x0  }
0x17d: {  	s0 =	rddreg [dreg:$0x4];
	[sflag:s13] =	ssyncadd.s32 $0xFFFF8000  }
0x17e: {  	[hbm4b:s0+s2] =	stream.linear.scatter [tilespmem:s2], [sflag:$0x3], $0x8000, $0x38;
	[tilespmem:$0x10000] =	vst v63  }
0x17f: {  	s1 =	rddreg [dreg:$0x5]  }
0x180: {  	[tilespmem:s8], [sflag:$0x2] =	stream.linear.gather [hbm4b:s1+s2], $0x8000, $0x38;
	[tilespmem:$0x10000] =	vst v63  }
0x181: {  	_ =	swait.ge [sflag:s9], $0x8000  }
0x182: {  	[sflag:s9] =	ssyncset.done $0x0  }
0x183: {  	s1 =	rddreg [dreg:$0x6];
	[sflag:s9] =	ssyncadd.s32 $0xFFFF8000  }
0x184: {  	[hbm4b:s1+s2] =	stream.linear.scatter [tilespmem:s8], [sflag:$0x4], $0x8000, $0x38;
	[tilespmem:$0x10000] =	vst v63  }
0x185: {  	_ =	swait.ge [sflag:s6], $0x8000  }
0x186: {  	[sflag:s6] =	ssyncset.done $0x0  }
0x187: {  	s1 =	rddreg [dreg:$0x7];
	[sflag:s6] =	ssyncadd.s32 $0xFFFF8000  }
0x188: {  	[tilespmem:s2], [sflag:$0x1] =	stream.linear.gather [hbm4b:s1+s2], $0x8000, $0x38;
	[tilespmem:$0x10000] =	vst v63  }
0x189: {  	_ =	swait.ge [sflag:s13], $0x8000  }
0x18a: {  	[sflag:s13] =	ssyncset.done $0x0  }
0x18b: {  	s1 =	rddreg [dreg:$0x8];
	[sflag:s13] =	ssyncadd.s32 $0xFFFF8000  }
0x18c: {  	[hbm4b:s1+s2] =	stream.linear.scatter [tilespmem:s2], [sflag:$0x3], $0x8000, $0x38;
	[tilespmem:$0x10000] =	vst v63  }
0x18d: {  	_ =	swait.ge [sflag:s5], $0x8000  }
0x18e: {  	[sflag:s5] =	ssyncset.done $0x0  }
0x18f: {  	s1 =	rddreg [dreg:$0x9];
	[sflag:s5] =	ssyncadd.s32 $0xFFFF8000  }
0x190: {  	[tilespmem:s8], [sflag:$0x2] =	stream.linear.gather [hbm4b:s1+s2], $0x8000, $0x38;
	[tilespmem:$0x10000] =	vst v63  }
0x191: {  	_ =	swait.ge [sflag:s9], $0x8000  }
0x192: {  	[sflag:s9] =	ssyncset.done $0x0  }
0x193: {  	s1 =	rddreg [dreg:$0xa];
	[sflag:s9] =	ssyncadd.s32 $0xFFFF8000  }
0x194: {  	[hbm4b:s1+s2] =	stream.linear.scatter [tilespmem:s8], [sflag:$0x4], $0x8000, $0x38;
	[tilespmem:$0x10000] =	vst v63  }
0x195: {  	_ =	swait.ge [sflag:s6], $0x8000  }
0x196: {  	[sflag:s6] =	ssyncset.done $0x0  }
0x197: {  	s1 =	rddreg [dreg:$0xb];
	[sflag:s6] =	ssyncadd.s32 $0xFFFF8000  }
0x198: {  	[tilespmem:s2], [sflag:$0x1] =	stream.linear.gather [hbm4b:s1+s2], $0x8000, $0x38;
	[tilespmem:$0x10000] =	vst v63  }
0x199: {  	_ =	swait.ge [sflag:s13], $0x8000  }
0x19a: {  	[sflag:s13] =	ssyncset.done $0x0  }
0x19b: {  	s1 =	rddreg [dreg:$0xc];
	[sflag:s13] =	ssyncadd.s32 $0xFFFF8000  }
0x19c: {  	[hbm4b:s1+s2] =	stream.linear.scatter [tilespmem:s2], [sflag:$0x3], $0x8000, $0x38;
	[tilespmem:$0x10000] =	vst v63  }
0x19d: {  	_ =	swait.ge [sflag:s5], $0x8000  }
0x19e: {  	[sflag:s5] =	ssyncset.done $0x0  }
0x19f: {  	s1 =	rddreg [dreg:$0xd];
	[sflag:s5] =	ssyncadd.s32 $0xFFFF8000  }
0x1a0: {  	[tilespmem:s8], [sflag:$0x2] =	stream.linear.gather [hbm4b:s1+s2], $0x8000, $0x38;
	[tilespmem:$0x10000] =	vst v63  }
0x1a1: {  	_ =	swait.ge [sflag:s9], $0x8000  }
0x1a2: {  	[sflag:s9] =	ssyncset.done $0x0  }
0x1a3: {  	s1 =	rddreg [dreg:$0xe];
	[sflag:s9] =	ssyncadd.s32 $0xFFFF8000  }
0x1a4: {  	[hbm4b:s1+s2] =	stream.linear.scatter [tilespmem:s8], [sflag:$0x4], $0x8000, $0x38;
	[tilespmem:$0x10000] =	vst v63  }
0x1a5: {  	_ =	swait.ge [sflag:s6], $0x8000  }
0x1a6: {  	[sflag:s6] =	ssyncset.done $0x0  }
0x1a7: {  	s1 =	rddreg [dreg:$0xf];
	[sflag:s6] =	ssyncadd.s32 $0xFFFF8000  }
0x1a8: {  	[tilespmem:s2], [sflag:$0x1] =	stream.linear.gather [hbm4b:s1+s2], $0x8000, $0x38;
	[tilespmem:$0x10000] =	vst v63  }
0x1a9: {  	_ =	swait.ge [sflag:s13], $0x8000  }
0x1aa: {  	[sflag:s13] =	ssyncset.done $0x0  }
0x1ab: {  	s1 =	rddreg [dreg:$0x10];
	[sflag:s13] =	ssyncadd.s32 $0xFFFF8000  }
0x1ac: {  	[hbm4b:s1+s2] =	stream.linear.scatter [tilespmem:s2], [sflag:$0x3], $0x8000, $0x38;
	[tilespmem:$0x10000] =	vst v63  }
0x1ad: {  	_ =	swait.ge [sflag:s5], $0x8000  }
0x1ae: {  	[sflag:s5] =	ssyncset.done $0x0  }
0x1af: {  	s1 =	rddreg [dreg:$0x11];
	[sflag:s5] =	ssyncadd.s32 $0xFFFF8000  }
0x1b0: {  	[tilespmem:s8], [sflag:$0x2] =	stream.linear.gather [hbm4b:s1+s2], $0x8000, $0x38;
	[tilespmem:$0x10000] =	vst v63  }
0x1b1: {  	_ =	swait.ge [sflag:s9], $0x8000  }
0x1b2: {  	[sflag:s9] =	ssyncset.done $0x0  }
0x1b3: {  	s1 =	rddreg [dreg:$0x12];
	[sflag:s9] =	ssyncadd.s32 $0xFFFF8000  }
0x1b4: {  	[hbm4b:s1+s2] =	stream.linear.scatter [tilespmem:s8], [sflag:$0x4], $0x8000, $0x38;
	[tilespmem:$0x10000] =	vst v63  }
0x1b5: {  	_ =	swait.ge [sflag:s6], $0x8000  }
0x1b6: {  	[sflag:s6] =	ssyncset.done $0x0  }
0x1b7: {  	s1 =	rddreg [dreg:$0x13];
	[sflag:s6] =	ssyncadd.s32 $0xFFFF8000  }
0x1b8: {  	[tilespmem:s2], [sflag:$0x1] =	stream.linear.gather [hbm4b:s1+s2], $0x8000, $0x38;
	[tilespmem:$0x10000] =	vst v63  }
0x1b9: {  	_ =	swait.ge [sflag:s13], $0x8000  }
0x1ba: {  	[sflag:s13] =	ssyncset.done $0x0  }
0x1bb: {  	[sflag:s13] =	ssyncadd.s32 $0xFFFF8000  }
0x1bc: {  	[hbm4b:s31+s2] =	stream.linear.scatter [tilespmem:s2], [sflag:$0x3], $0x8000, $0x38;
	[tilespmem:$0x10000] =	vst v63  }
0x1bd: {  	_ =	swait.ge [sflag:s5], $0x8000  }
0x1be: {  	[sflag:s5] =	ssyncset.done $0x0  }
0x1bf: {  	[sflag:s5] =	ssyncadd.s32 $0xFFFF8000  }
0x1c0: {  	[tilespmem:s8], [sflag:$0x2] =	stream.linear.gather [hbm4b:s30+s2], $0x8000, $0x38;
	[tilespmem:$0x10000] =	vst v63  }
0x1c1: {  	_ =	swait.ge [sflag:s9], $0x8000  }
0x1c2: {  	[sflag:s9] =	ssyncset.done $0x0  }
0x1c3: {  	[sflag:s9] =	ssyncadd.s32 $0xFFFF8000  }
0x1c4: {  	[hbm4b:s29+s2] =	stream.linear.scatter [tilespmem:s8], [sflag:$0x4], $0x8000, $0x38;
	[tilespmem:$0x10000] =	vst v63  }
0x1c5: {  	_ =	swait.ge [sflag:s6], $0x8000  }
0x1c6: {  	[sflag:s6] =	ssyncset.done $0x0  }
0x1c7: {  	[sflag:s6] =	ssyncadd.s32 $0xFFFF8000  }
0x1c8: {  	[tilespmem:s2], [sflag:$0x1] =	stream.linear.gather [hbm4b:s28+s2], $0x8000, $0x38;
	[tilespmem:$0x10000] =	vst v63  }
0x1c9: {  	_ =	swait.ge [sflag:s13], $0x8000  }
0x1ca: {  	[sflag:s13] =	ssyncset.done $0x0  }
0x1cb: {  	[sflag:s13] =	ssyncadd.s32 $0xFFFF8000  }
0x1cc: {  	[hbm4b:s26+s2] =	stream.linear.scatter [tilespmem:s2], [sflag:$0x3], $0x8000, $0x38;
	[tilespmem:$0x10000] =	vst v63  }
0x1cd: {  	_ =	swait.ge [sflag:s5], $0x8000  }
0x1ce: {  	[sflag:s5] =	ssyncset.done $0x0  }
0x1cf: {  	[sflag:s5] =	ssyncadd.s32 $0xFFFF8000  }
0x1d0: {  	[tilespmem:s8], [sflag:$0x2] =	stream.linear.gather [hbm4b:s25+s2], $0x8000, $0x38;
	[tilespmem:$0x10000] =	vst v63  }
0x1d1: {  	_ =	swait.ge [sflag:s9], $0x8000  }
0x1d2: {  	[sflag:s9] =	ssyncset.done $0x0  }
0x1d3: {  	[sflag:s9] =	ssyncadd.s32 $0xFFFF8000  }
0x1d4: {  	[hbm4b:s24+s2] =	stream.linear.scatter [tilespmem:s8], [sflag:$0x4], $0x8000, $0x38;
	[tilespmem:$0x10000] =	vst v63  }
0x1d5: {  	_ =	swait.ge [sflag:s6], $0x8000  }
0x1d6: {  	[sflag:s6] =	ssyncset.done $0x0  }
0x1d7: {  	[sflag:s6] =	ssyncadd.s32 $0xFFFF8000  }
0x1d8: {  	[tilespmem:s2], [sflag:$0x1] =	stream.linear.gather [hbm4b:s23+s2], $0x8000, $0x38;
	[tilespmem:$0x10000] =	vst v63  }
0x1d9: {  	_ =	swait.ge [sflag:s13], $0x8000  }
0x1da: {  	[sflag:s13] =	ssyncset.done $0x0  }
0x1db: {  	[sflag:s13] =	ssyncadd.s32 $0xFFFF8000  }
0x1dc: {  	[hbm4b:s22+s2] =	stream.linear.scatter [tilespmem:s2], [sflag:$0x3], $0x8000, $0x38;
	[tilespmem:$0x10000] =	vst v63  }
0x1dd: {  	_ =	swait.ge [sflag:s5], $0x8000  }
0x1de: {  	[sflag:s5] =	ssyncset.done $0x0  }
0x1df: {  	[sflag:s5] =	ssyncadd.s32 $0xFFFF8000  }
0x1e0: {  	[tilespmem:s8], [sflag:$0x2] =	stream.linear.gather [hbm4b:s21+s2], $0x8000, $0x38;
	[tilespmem:$0x10000] =	vst v63  }
0x1e1: {  	_ =	swait.ge [sflag:s9], $0x8000  }
0x1e2: {  	[sflag:s9] =	ssyncset.done $0x0  }
0x1e3: {  	[sflag:s9] =	ssyncadd.s32 $0xFFFF8000  }
0x1e4: {  	[hbm4b:s20+s2] =	stream.linear.scatter [tilespmem:s8], [sflag:$0x4], $0x8000, $0x38;
	[tilespmem:$0x10000] =	vst v63  }
0x1e5: {  	_ =	swait.ge [sflag:s6], $0x8000  }
0x1e6: {  	[sflag:s6] =	ssyncset.done $0x0  }
0x1e7: {  	[sflag:s6] =	ssyncadd.s32 $0xFFFF8000  }
0x1e8: {  	[tilespmem:s2], [sflag:$0x1] =	stream.linear.gather [hbm4b:s19+s2], $0x8000, $0x38;
	[tilespmem:$0x10000] =	vst v63  }
0x1e9: {  	_ =	swait.ge [sflag:s13], $0x8000  }
0x1ea: {  	[sflag:s13] =	ssyncset.done $0x0  }
0x1eb: {  	[sflag:s13] =	ssyncadd.s32 $0xFFFF8000  }
0x1ec: {  	[hbm4b:s18+s2] =	stream.linear.scatter [tilespmem:s2], [sflag:$0x3], $0x8000, $0x38;
	[tilespmem:$0x10000] =	vst v63  }
0x1ed: {  	_ =	swait.ge [sflag:s5], $0x8000  }
0x1ee: {  	[sflag:s5] =	ssyncset.done $0x0  }
0x1ef: {  	[sflag:s5] =	ssyncadd.s32 $0xFFFF8000  }
0x1f0: {  	[tilespmem:s8], [sflag:$0x2] =	stream.linear.gather [hbm4b:s17+s2], $0x8000, $0x38;
	[tilespmem:$0x10000] =	vst v63  }
0x1f1: {  	_ =	swait.ge [sflag:s9], $0x8000  }
0x1f2: {  	[sflag:s9] =	ssyncset.done $0x0  }
0x1f3: {  	[sflag:s9] =	ssyncadd.s32 $0xFFFF8000  }
0x1f4: {  	[hbm4b:s16+s2] =	stream.linear.scatter [tilespmem:s8], [sflag:$0x4], $0x8000, $0x38;
	[tilespmem:$0x10000] =	vst v63  }
0x1f5: {  	_ =	swait.ge [sflag:s6], $0x8000  }
0x1f6: {  	[sflag:s6] =	ssyncset.done $0x0  }
0x1f7: {  	[sflag:s6] =	ssyncadd.s32 $0xFFFF8000  }
0x1f8: {  	[tilespmem:s2], [sflag:$0x1] =	stream.linear.gather [hbm4b:s15+s2], $0x8000, $0x38;
	[tilespmem:$0x10000] =	vst v63  }
0x1f9: {  	_ =	swait.ge [sflag:s13], $0x8000  }
0x1fa: {  	[sflag:s13] =	ssyncset.done $0x0  }
0x1fb: {  	[sflag:s13] =	ssyncadd.s32 $0xFFFF8000  }
0x1fc: {  	[hbm4b:s14+s2] =	stream.linear.scatter [tilespmem:s2], [sflag:$0x3], $0x8000, $0x38;
	[tilespmem:$0x10000] =	vst v63  }
0x1fd: {  	_ =	swait.ge [sflag:s5], $0x8000  }
0x1fe: {  	[sflag:s5] =	ssyncset.done $0x0  }
0x1ff: {  	[sflag:s5] =	ssyncadd.s32 $0xFFFF8000  }
0x200: {  	[tilespmem:s8], [sflag:$0x2] =	stream.linear.gather [hbm4b:s12+s2], $0x8000, $0x38;
	[tilespmem:$0x10000] =	vst v63  }
0x201: {  	_ =	swait.ge [sflag:s9], $0x8000  }
0x202: {  	[sflag:s9] =	ssyncset.done $0x0  }
0x203: {  	[sflag:s9] =	ssyncadd.s32 $0xFFFF8000  }
0x204: {  	[hbm4b:s11+s2] =	stream.linear.scatter [tilespmem:s8], [sflag:$0x4], $0x8000, $0x38;
	[tilespmem:$0x10000] =	vst v63  }
0x205: {  	_ =	swait.ge [sflag:s6], $0x8000  }
0x206: {  	[sflag:s6] =	ssyncset.done $0x0  }
0x207: {  	[sflag:s6] =	ssyncadd.s32 $0xFFFF8000  }
0x208: {  	[tilespmem:s2], [sflag:$0x1] =	stream.linear.gather [hbm4b:s10+s2], $0x8000, $0x38;
	[tilespmem:$0x10000] =	vst v63  }
0x209: {  	_ =	swait.ge [sflag:s13], $0x8000  }
0x20a: {  	[sflag:s13] =	ssyncset.done $0x0  }
0x20b: {  	[sflag:s13] =	ssyncadd.s32 $0xFFFF8000  }
0x20c: {  	[hbm4b:s7+s2] =	stream.linear.scatter [tilespmem:s2], [sflag:$0x3], $0x8000, $0x38;
	[tilespmem:$0x10000] =	vst v63  }
0x20d: {  	_ =	swait.ge [sflag:s5], $0x8000  }
0x20e: {  	[sflag:s5] =	ssyncset.done $0x0  }
0x20f: {  	[sflag:s5] =	ssyncadd.s32 $0xFFFF8000  }
0x210: {  	[tilespmem:s8], [sflag:$0x2] =	stream.linear.gather [hbm4b:s4+s2], $0x8000, $0x38;
	[tilespmem:$0x10000] =	vst v63  }
0x211: {  	_ =	swait.ge [sflag:s9], $0x8000  }
0x212: {  	[sflag:s9] =	ssyncset.done $0x0  }
0x213: {  	[sflag:s9] =	ssyncadd.s32 $0xFFFF8000  }
0x214: {  	[hbm4b:s3+s2] =	stream.linear.scatter [tilespmem:s8], [sflag:$0x4], $0x8000, $0x38;
	[tilespmem:$0x10000] =	vst v63  }
0x215: {  	_ =	swait.ge [sflag:s6], $0x8000  }
0x216: {  	[sflag:s6] =	ssyncset.done $0x0  }
0x217: {  	[sflag:s6] =	ssyncadd.s32 $0xFFFF8000  }
0x218: {  	_ =	swait.ge [sflag:s5], $0x8000  }
0x219: {  	[sflag:s5] =	ssyncset.done $0x0  }
0x21a: {  	[sflag:s5] =	ssyncadd.s32 $0xFFFF8000  }
0x21b: {  	_ =	sfence.sel $0x180000  }
0x21c: {  	[bflag:$0x0] =	sbarrier.arrive $0xFFFF  }
0x21d: {  	_ =	strace $0x90000047  }
0x21e: {  	s31 =	stileid.u32;
	[bflag:$0x2] =	sbarrier.arrive $0xFFFF  }
0x21f: {  	p0 =	sne.s32 s31, $0x0;
	s0 =	rddreg [dreg:$0x2]  }
0x220: {  	s0 =	sadd.s32 @!p0 $0x100000, s0  }
0x221: {  	[sflag:s0] =	ssyncadd.tile.s32 @!p0 $0x1;
	_ =	shalt  }
.Lfunc_end2:
_tile_overlayer_lowered:
.L_overlay_start_2:
0x222: {  	(tag) =	ssettag $0x2  }
0x223: {  	s0 =	rddreg [dreg:$0x0];
	s2 =	stileid.u32  }
0x224: {  	s1 =	rddreg [dreg:$0x1];
	p0 =	sne.s32 s2, $0x0  }
0x225: {  	s3 =	rddreg [dreg:$0x2];
	[bflag:$0x3] =	sbarrier.arrive $0xFFFF;
	s2 =	simm.s32 @!p0 $0x1C05  }
0x226: {  	[timem:s3], [sflag:s2] =	dma.local @!p0 [hbm:s0], s1  }
0x227: {  	s0 =	simm.s32 @!p0 $0x5  }
0x228: {  	_ =	swait.ge @!p0 [sflag:s0], s1  }
0x229: {  	s1 =	ssub.s32 @!p0 $0x0, s1;
	[sflag:s0] =	ssyncset.done @!p0 $0x0  }
0x22a: {  	[sflag:s0] =	ssyncadd.s32 @!p0 s1  }
0x22b: {  	[bflag:$0x3] =	sbarrier.arrive $0xFFFF  }
0x22c: {  	_ =	shalt  }

</sc_bundles>
